<compile_context>
chip_gen: v7x
topology: tpu7x:2x2x1
jax: 0.10.2.dev20260603
libtpu: 0.0.44.dev20260713+nightly
codegen_flags: <defaults>
</compile_context>

<pallas_src>
import functools

import jax
import jax.numpy as jnp
from jax import lax
from jax.experimental import pallas as pl
from jax.experimental.pallas import tpu as pltpu, tpu_sc as plsc

N = 50000
NS = 2048
NTILES = 16
NPAD = 50176
PPT = NPAD // NTILES
UNROLL = 4
IMAX = 2147483647

_mesh = plsc.VectorSubcoreMesh(
    core_axis_name="c", subcore_axis_name="s", num_cores=1
)


@functools.partial(
    pl.kernel,
    mesh=_mesh,
    out_type=jax.ShapeDtypeStruct((NS, 1, 16), jnp.float32),
    compiler_params=pltpu.CompilerParams(
        needs_layout_passes=False, use_tc_tiling_on_sc=False),
    scratch_types=[
        pltpu.VMEM((3, PPT + 16), jnp.float32),
        pltpu.VMEM((1, PPT), jnp.float32),
        pltpu.VMEM((1, 1, 16), jnp.float32),
        pltpu.VMEM((16, 1, 48), jnp.float32),
        pltpu.VMEM((1, 48), jnp.float32),
        pltpu.VMEM((NS, 1, 16), jnp.float32),
        pltpu.VMEM_SHARED((32, 1, 48), jnp.float32),
    ],
)
def _fps_sc(xt_hbm, dinit_hbm, x0_hbm, out_hbm,
            xloc, dists, p0buf, redbuf, recstage, outbuf, recs):
    sid = lax.axis_index("s")

    pltpu.sync_copy(xt_hbm.at[sid], xloc)
    pltpu.sync_copy(dinit_hbm.at[sid], dists)
    pltpu.sync_copy(x0_hbm, p0buf)

    pv = p0buf[0, 0, :]

    @pl.when(sid == 0)
    def _():
        outbuf[0, 0, :] = pv

    base = sid * PPT
    lanes = lax.iota(jnp.int32, 16)
    imax16 = jnp.full((16,), IMAX, jnp.int32)
    ninf16 = jnp.full((16,), -jnp.inf, jnp.float32)
    zeros16 = jnp.zeros((16,), jnp.int32)

    def iter_body(i, carry):
        p0, p1, p2 = carry

        def chunk(off, acc):
            runmax, runidx = acc
            t0 = xloc[0, pl.ds(off, 16)] - p0
            t1 = xloc[1, pl.ds(off, 16)] - p1
            t2 = xloc[2, pl.ds(off, 16)] - p2
            d = (t0 * t0 + t2 * t2) + t1 * t1
            dn = jnp.minimum(dists[0, pl.ds(off, 16)], d)
            dists[0, pl.ds(off, 16)] = dn
            upd = dn > runmax
            runmax = jnp.maximum(runmax, dn)
            runidx = jnp.where(upd, (base + off) + lanes, runidx)
            return runmax, runidx

        acc0 = (ninf16, zeros16)

        @plsc.parallel_loop(0, PPT // 16, 1, unroll=UNROLL, carry=acc0)
        def final_acc(c, acc):
            return chunk(c * 16, acc)

        runmax, runidx = final_acc

        m = jnp.max(runmax)
        mvec = jnp.full((16,), m, jnp.float32)
        li = jnp.min(jnp.where(runmax == mvec, runidx, imax16))
        lo = li - base
        cx = xloc[0, pl.ds(lo, 16)]
        cy = xloc[1, pl.ds(lo, 16)]
        cz = xloc[2, pl.ds(lo, 16)]
        coords = jnp.where(lanes == 0, jnp.full((16,), cx[0], jnp.float32),
                 jnp.where(lanes == 1, jnp.full((16,), cy[0], jnp.float32),
                           jnp.full((16,), cz[0], jnp.float32)))
        recstage[0, pl.ds(0, 16)] = mvec
        recstage[0, pl.ds(16, 16)] = plsc.bitcast(
            jnp.full((16,), li, jnp.int32), jnp.float32)
        recstage[0, pl.ds(32, 16)] = coords

        pbase = jnp.bitwise_and(i, 1) * NTILES
        pltpu.sync_copy(recstage, recs.at[pbase + sid])
        plsc.subcore_barrier()
        pltpu.sync_copy(recs.at[pl.ds(pbase, NTILES)], redbuf)

        bestv = redbuf[0, 0, pl.ds(0, 16)]
        besti = plsc.bitcast(redbuf[0, 0, pl.ds(16, 16)], jnp.int32)
        bestc = redbuf[0, 0, pl.ds(32, 16)]
        for t in range(1, NTILES):
            vt = redbuf[t, 0, pl.ds(0, 16)]
            it = plsc.bitcast(redbuf[t, 0, pl.ds(16, 16)], jnp.int32)
            ct = redbuf[t, 0, pl.ds(32, 16)]
            take = (vt > bestv) | ((vt == bestv) & (it < besti))
            bestv = jnp.where(take, vt, bestv)
            besti = jnp.where(take, it, besti)
            bestc = jnp.where(take, ct, bestc)

        @pl.when(sid == 0)
        def _():
            outbuf[i, 0, :] = bestc

        return (jnp.full((16,), bestc[0], jnp.float32),
                jnp.full((16,), bestc[1], jnp.float32),
                jnp.full((16,), bestc[2], jnp.float32))

    lax.fori_loop(
        1, NS, iter_body,
        (jnp.full((16,), pv[0], jnp.float32),
         jnp.full((16,), pv[1], jnp.float32),
         jnp.full((16,), pv[2], jnp.float32)),
    )

    @pl.when(sid == 0)
    def _():
        pltpu.sync_copy(outbuf, out_hbm)


def kernel(x):
    xpad = jnp.pad(x, ((0, NPAD - N), (0, 0)))
    xt = xpad.T.reshape(3, NTILES, PPT).transpose(1, 0, 2)
    xt = jnp.pad(xt, ((0, 0), (0, 0), (0, 16)))
    x0 = jnp.pad(x[0:1], ((0, 0), (0, 13))).reshape(1, 1, 16)
    dinit = jnp.concatenate([
        jnp.full((N,), jnp.inf, jnp.float32),
        jnp.full((NPAD - N,), -jnp.inf, jnp.float32),
    ]).reshape(NTILES, 1, PPT)
    out = _fps_sc(xt, dinit, x0)
    return out.reshape(NS, 16)[:, :3]

# --- scband reference (transcript-rebuilt; emitter-appended) ---
"""Pipeline reference for scband-fpspool-layer-16484084483004 (READ-ONLY COPY).

The authoritative reference and input builder live on the scoring server;
editing this copy changes nothing except your own understanding.
"""

import jax, jax.numpy as jnp
import numpy as np

NB_VERTICES = 2048


def _fps(x, num_samples):
    # Farthest point sampling, deterministic start at index 0
    # (torch_geometric.nn.fps with random_start would pick a random seed point;
    # we fix it to 0 for reproducibility).
    N = x.shape[0]

    def body(i, carry):
        sel, dists, last = carry
        p = x[last]
        d = jnp.sum((x - p) ** 2, axis=1)
        dists = jnp.minimum(dists, d)
        nxt = jnp.argmax(dists).astype(jnp.int32)
        sel = sel.at[i].set(nxt)
        return (sel, dists, nxt)

    sel0 = jnp.zeros((num_samples,), dtype=jnp.int32)  # sel[0] = 0 (start point)
    init = (sel0, jnp.full((N,), jnp.inf, dtype=x.dtype), jnp.int32(0))
    sel, _, _ = jax.lax.fori_loop(1, num_samples, body, init)
    return sel


def setup_inputs(seed: int = 0) -> dict:
    key = jax.random.key(seed)
    x = jax.random.normal(key, (50000, 3), dtype=jnp.float32)
    return {"x": x}


def reference(x):
    # FPSPoolLayer.forward with batch=None:
    #   ratio = nb_vertices / x.size(0); ratio != 1 -> fps + gather
    # (the torch module returns (x, batch) with batch=None; we return the
    # pooled point tensor, which is the only array output).
    idx = _fps(x, NB_VERTICES)
    return x[idx]

if __name__ == "__main__":
    import jax
    _d = setup_inputs()
    print(jax.jit(kernel)(*tuple(_d.values())))

</pallas_src>

<mosaic_0001>
#map = affine_map<(d0, d1) -> (0, 0, 0)>
module attributes {stable_mosaic.version = 14 : i64} {
  func.func @_fps_sc(%arg0: i32, %arg1: i32, %arg2: memref<16x3x3152xf32, #tpu.memory_space<hbm>>, %arg3: memref<16x1x3136xf32, #tpu.memory_space<hbm>>, %arg4: memref<1x1x16xf32, #tpu.memory_space<hbm>>, %arg5: memref<2048x1x16xf32, #tpu.memory_space<hbm>>, %arg6: memref<3x3152xf32, #tpu.memory_space<vmem>>, %arg7: memref<1x3136xf32, #tpu.memory_space<vmem>>, %arg8: memref<1x1x16xf32, #tpu.memory_space<vmem>>, %arg9: memref<16x1x48xf32, #tpu.memory_space<vmem>>, %arg10: memref<1x48xf32, #tpu.memory_space<vmem>>, %arg11: memref<2048x1x16xf32, #tpu.memory_space<vmem>>, %arg12: memref<32x1x48xf32, #tpu.memory_space<vmem_shared>>) attributes {dimension_semantics = [#tpu.dimension_semantics<core_parallel>, #tpu.dimension_semantics<subcore_parallel>], iteration_bounds = array<i64: 1, 16>, scalar_prefetch = 0 : i64, scratch_operands = 7 : i64, tpu.core_type = #tpu.core_type<sc_vector_subcore>, window_params = [{transform_indices = #map}, {transform_indices = #map}, {transform_indices = #map}, {transform_indices = #map}]} {
    "tpu.region"() ({
      %run_scoped3A = tpu.sem_alloc : memref<!tpu.dma_semaphore, #tpu.memory_space<semaphore_mem>>
      %dma_start3A = arith.constant 0 : i32
      %dma_start3A_30 = arith.constant 0 : i32
      %dma_start3A_31 = tpu.memref_slice %arg2[%arg1, %dma_start3A, %dma_start3A_30] : memref<16x3x3152xf32, #tpu.memory_space<hbm>> -> memref<1x3x3152xf32, #tpu.memory_space<hbm>>
      %dma_start3A_32 = tpu.memref_squeeze %dma_start3A_31 : memref<1x3x3152xf32, #tpu.memory_space<hbm>> -> memref<3x3152xf32, #tpu.memory_space<hbm>>
      %dma_start3A_33 = arith.constant 0 : i32
      %dma_start3A_34 = arith.constant 0 : i32
      %dma_start3A_35 = tpu.memref_slice %arg2[%arg1, %dma_start3A_33, %dma_start3A_34] : memref<16x3x3152xf32, #tpu.memory_space<hbm>> -> memref<1x3x3152xf32, #tpu.memory_space<hbm>>
      %dma_start3A_36 = tpu.memref_squeeze %dma_start3A_35 : memref<1x3x3152xf32, #tpu.memory_space<hbm>> -> memref<3x3152xf32, #tpu.memory_space<hbm>>
      tpu.enqueue_dma source(%dma_start3A_36 : memref<3x3152xf32, #tpu.memory_space<hbm>>) target(%arg6 : memref<3x3152xf32, #tpu.memory_space<vmem>>) target_semaphore(%run_scoped3A : memref<!tpu.dma_semaphore, #tpu.memory_space<semaphore_mem>>)
      %dma_wait3A = arith.constant 0 : i32
      %dma_wait3A_37 = arith.constant 0 : i32
      %dma_wait3A_38 = tpu.memref_slice %arg2[%arg1, %dma_wait3A, %dma_wait3A_37] : memref<16x3x3152xf32, #tpu.memory_space<hbm>> -> memref<1x3x3152xf32, #tpu.memory_space<hbm>>
      %dma_wait3A_39 = tpu.memref_squeeze %dma_wait3A_38 : memref<1x3x3152xf32, #tpu.memory_space<hbm>> -> memref<3x3152xf32, #tpu.memory_space<hbm>>
      %dma_wait3A_40 = arith.constant 0 : i32
      %dma_wait3A_41 = arith.constant 0 : i32
      %dma_wait3A_42 = tpu.memref_slice %arg2[%arg1, %dma_wait3A_40, %dma_wait3A_41] : memref<16x3x3152xf32, #tpu.memory_space<hbm>> -> memref<1x3x3152xf32, #tpu.memory_space<hbm>>
      %dma_wait3A_43 = tpu.memref_squeeze %dma_wait3A_42 : memref<1x3x3152xf32, #tpu.memory_space<hbm>> -> memref<3x3152xf32, #tpu.memory_space<hbm>>
      tpu.wait_dma2 semaphore(%run_scoped3A : memref<!tpu.dma_semaphore, #tpu.memory_space<semaphore_mem>>) src(%dma_wait3A_43 : memref<3x3152xf32, #tpu.memory_space<hbm>>) dst(%arg6 : memref<3x3152xf32, #tpu.memory_space<vmem>>)
      tpu.yield
    }) : () -> ()
    "tpu.region"() ({
      %run_scoped3A = tpu.sem_alloc : memref<!tpu.dma_semaphore, #tpu.memory_space<semaphore_mem>>
      %dma_start3A = arith.constant 0 : i32
      %dma_start3A_30 = arith.constant 0 : i32
      %dma_start3A_31 = tpu.memref_slice %arg3[%arg1, %dma_start3A, %dma_start3A_30] : memref<16x1x3136xf32, #tpu.memory_space<hbm>> -> memref<1x1x3136xf32, #tpu.memory_space<hbm>>
      %dma_start3A_32 = tpu.memref_squeeze %dma_start3A_31 : memref<1x1x3136xf32, #tpu.memory_space<hbm>> -> memref<1x3136xf32, #tpu.memory_space<hbm>>
      %dma_start3A_33 = arith.constant 0 : i32
      %dma_start3A_34 = arith.constant 0 : i32
      %dma_start3A_35 = tpu.memref_slice %arg3[%arg1, %dma_start3A_33, %dma_start3A_34] : memref<16x1x3136xf32, #tpu.memory_space<hbm>> -> memref<1x1x3136xf32, #tpu.memory_space<hbm>>
      %dma_start3A_36 = tpu.memref_squeeze %dma_start3A_35 : memref<1x1x3136xf32, #tpu.memory_space<hbm>> -> memref<1x3136xf32, #tpu.memory_space<hbm>>
      tpu.enqueue_dma source(%dma_start3A_36 : memref<1x3136xf32, #tpu.memory_space<hbm>>) target(%arg7 : memref<1x3136xf32, #tpu.memory_space<vmem>>) target_semaphore(%run_scoped3A : memref<!tpu.dma_semaphore, #tpu.memory_space<semaphore_mem>>)
      %dma_wait3A = arith.constant 0 : i32
      %dma_wait3A_37 = arith.constant 0 : i32
      %dma_wait3A_38 = tpu.memref_slice %arg3[%arg1, %dma_wait3A, %dma_wait3A_37] : memref<16x1x3136xf32, #tpu.memory_space<hbm>> -> memref<1x1x3136xf32, #tpu.memory_space<hbm>>
      %dma_wait3A_39 = tpu.memref_squeeze %dma_wait3A_38 : memref<1x1x3136xf32, #tpu.memory_space<hbm>> -> memref<1x3136xf32, #tpu.memory_space<hbm>>
      %dma_wait3A_40 = arith.constant 0 : i32
      %dma_wait3A_41 = arith.constant 0 : i32
      %dma_wait3A_42 = tpu.memref_slice %arg3[%arg1, %dma_wait3A_40, %dma_wait3A_41] : memref<16x1x3136xf32, #tpu.memory_space<hbm>> -> memref<1x1x3136xf32, #tpu.memory_space<hbm>>
      %dma_wait3A_43 = tpu.memref_squeeze %dma_wait3A_42 : memref<1x1x3136xf32, #tpu.memory_space<hbm>> -> memref<1x3136xf32, #tpu.memory_space<hbm>>
      tpu.wait_dma2 semaphore(%run_scoped3A : memref<!tpu.dma_semaphore, #tpu.memory_space<semaphore_mem>>) src(%dma_wait3A_43 : memref<1x3136xf32, #tpu.memory_space<hbm>>) dst(%arg7 : memref<1x3136xf32, #tpu.memory_space<vmem>>)
      tpu.yield
    }) : () -> ()
    "tpu.region"() ({
      %run_scoped3A = tpu.sem_alloc : memref<!tpu.dma_semaphore, #tpu.memory_space<semaphore_mem>>
      tpu.enqueue_dma source(%arg4 : memref<1x1x16xf32, #tpu.memory_space<hbm>>) target(%arg8 : memref<1x1x16xf32, #tpu.memory_space<vmem>>) target_semaphore(%run_scoped3A : memref<!tpu.dma_semaphore, #tpu.memory_space<semaphore_mem>>)
      tpu.wait_dma2 semaphore(%run_scoped3A : memref<!tpu.dma_semaphore, #tpu.memory_space<semaphore_mem>>) src(%arg4 : memref<1x1x16xf32, #tpu.memory_space<hbm>>) dst(%arg8 : memref<1x1x16xf32, #tpu.memory_space<vmem>>)
      tpu.yield
    }) : () -> ()
    %get3A = arith.constant 0 : i32
    %get3A_0 = arith.constant 0 : i32
    %get3A_1 = arith.index_cast %get3A : i32 to index
    %get3A_2 = arith.index_cast %get3A_0 : i32 to index
    %get3A_3 = arith.constant 0 : index
    %get3A_4 = tpu.vector_load %arg8[%get3A_1, %get3A_2, %get3A_3] {strides = array<i32>} : memref<1x1x16xf32, #tpu.memory_space<vmem>>, vector<16xf32>,
    %eq3A = arith.constant 0 : i32
    %eq3A_5 = arith.cmpi eq, %arg1, %eq3A : i32
    %convert_element_type3A = arith.extui %eq3A_5 : i1 to i32
    %cond3A = arith.constant 0 : i32
    %cond3A_6 = arith.cmpi ne, %convert_element_type3A, %cond3A : i32
    scf.if %cond3A_6 {
      %swap3A = arith.constant 0 : i32
      %swap3A_30 = arith.constant 0 : i32
      %swap3A_31 = arith.index_cast %swap3A : i32 to index
      %swap3A_32 = arith.index_cast %swap3A_30 : i32 to index
      %swap3A_33 = arith.constant 0 : index
      %swap3A_34 = tpu.vector_load %arg11[%swap3A_31, %swap3A_32, %swap3A_33] {strides = array<i32>} : memref<2048x1x16xf32, #tpu.memory_space<vmem>>, vector<16xf32>,
      tpu.vector_store %arg11[%swap3A_31, %swap3A_32, %swap3A_33], %get3A_4 {strides = array<i32>} : memref<2048x1x16xf32, #tpu.memory_space<vmem>>, vector<16xf32>,
    } else {
    }
    %mul3A = arith.constant 3136 : i32
    %mul3A_7 = arith.muli %arg1, %mul3A : i32
    %iota3A = tpu.iota {dimensions = array<i32: 0>} : vector<16xi32>
    %broadcast_in_dim3A = arith.constant 2147483647 : i32
    %broadcast_in_dim3A_8 = vector.broadcast %broadcast_in_dim3A : i32 to vector<16xi32>
    %broadcast_in_dim3A_9 = arith.constant 0xFF800000 : f32
    %broadcast_in_dim3A_10 = vector.broadcast %broadcast_in_dim3A_9 : f32 to vector<16xf32>
    %broadcast_in_dim3A_11 = arith.constant 0 : i32
    %broadcast_in_dim3A_12 = vector.broadcast %broadcast_in_dim3A_11 : i32 to vector<16xi32>
    %slice3A = vector.extract_strided_slice %get3A_4 {offsets = [0], sizes = [1], strides = [1]} : vector<16xf32> to vector<1xf32>
    %squeeze3A = vector.extract %slice3A[0] : f32 from vector<1xf32>
    %broadcast_in_dim3A_13 = vector.broadcast %squeeze3A : f32 to vector<16xf32>
    %slice3A_14 = vector.extract_strided_slice %get3A_4 {offsets = [1], sizes = [1], strides = [1]} : vector<16xf32> to vector<1xf32>
    %squeeze3A_15 = vector.extract %slice3A_14[0] : f32 from vector<1xf32>
    %broadcast_in_dim3A_16 = vector.broadcast %squeeze3A_15 : f32 to vector<16xf32>
    %slice3A_17 = vector.extract_strided_slice %get3A_4 {offsets = [2], sizes = [1], strides = [1]} : vector<16xf32> to vector<1xf32>
    %squeeze3A_18 = vector.extract %slice3A_17[0] : f32 from vector<1xf32>
    %broadcast_in_dim3A_19 = vector.broadcast %squeeze3A_18 : f32 to vector<16xf32>
    %scan3A = arith.constant 1 : i32
    %scan3A_20 = arith.constant 2047 : i32
    %scan3A_21 = arith.addi %scan3A, %scan3A_20 : i32
    %scan3A_22 = arith.constant 1 : i32
    %scan3A_23:3 = scf.for %scan3A_30 = %scan3A to %scan3A_21 step %scan3A_22 iter_args(%scan3A_31 = %broadcast_in_dim3A_13, %scan3A_32 = %broadcast_in_dim3A_16, %scan3A_33 = %broadcast_in_dim3A_19) -> (vector<16xf32>, vector<16xf32>, vector<16xf32>)  : i32 {
      %parallel_loop3A = arith.constant 0 : i32
      %parallel_loop3A_34 = arith.constant 196 : i32
      %parallel_loop3A_35 = arith.constant 1 : i32
      %parallel_loop3A_36:2 = scf.for %parallel_loop3A_528 = %parallel_loop3A to %parallel_loop3A_34 step %parallel_loop3A_35 iter_args(%parallel_loop3A_529 = %broadcast_in_dim3A_10, %parallel_loop3A_530 = %broadcast_in_dim3A_12) -> (vector<16xf32>, vector<16xi32>)  : i32 {
        %parallel_loop3A_531 = arith.constant 16 : i32
        %parallel_loop3A_532 = arith.muli %parallel_loop3A_528, %parallel_loop3A_531 : i32
        %parallel_loop3A_533 = arith.constant 0 : i32
        %parallel_loop3A_534 = arith.index_cast %parallel_loop3A_533 : i32 to index
        %parallel_loop3A_535 = arith.index_cast %parallel_loop3A_532 : i32 to index
        %parallel_loop3A_536 = tpu.vector_load %arg6[%parallel_loop3A_534, %parallel_loop3A_535] {strides = array<i32>} : memref<3x3152xf32, #tpu.memory_space<vmem>>, vector<16xf32>,
        %parallel_loop3A_537 = arith.subf %parallel_loop3A_536, %scan3A_31 : vector<16xf32>
        %parallel_loop3A_538 = arith.constant 1 : i32
        %parallel_loop3A_539 = arith.index_cast %parallel_loop3A_538 : i32 to index
        %parallel_loop3A_540 = arith.index_cast %parallel_loop3A_532 : i32 to index
        %parallel_loop3A_541 = tpu.vector_load %arg6[%parallel_loop3A_539, %parallel_loop3A_540] {strides = array<i32>} : memref<3x3152xf32, #tpu.memory_space<vmem>>, vector<16xf32>,
        %parallel_loop3A_542 = arith.subf %parallel_loop3A_541, %scan3A_32 : vector<16xf32>
        %parallel_loop3A_543 = arith.constant 2 : i32
        %parallel_loop3A_544 = arith.index_cast %parallel_loop3A_543 : i32 to index
        %parallel_loop3A_545 = arith.index_cast %parallel_loop3A_532 : i32 to index
        %parallel_loop3A_546 = tpu.vector_load %arg6[%parallel_loop3A_544, %parallel_loop3A_545] {strides = array<i32>} : memref<3x3152xf32, #tpu.memory_space<vmem>>, vector<16xf32>,
        %parallel_loop3A_547 = arith.subf %parallel_loop3A_546, %scan3A_33 : vector<16xf32>
        %parallel_loop3A_548 = arith.mulf %parallel_loop3A_537, %parallel_loop3A_537 : vector<16xf32>
        %parallel_loop3A_549 = arith.mulf %parallel_loop3A_547, %parallel_loop3A_547 : vector<16xf32>
        %parallel_loop3A_550 = arith.addf %parallel_loop3A_548, %parallel_loop3A_549 : vector<16xf32>
        %parallel_loop3A_551 = arith.mulf %parallel_loop3A_542, %parallel_loop3A_542 : vector<16xf32>
        %parallel_loop3A_552 = arith.addf %parallel_loop3A_550, %parallel_loop3A_551 : vector<16xf32>
        %parallel_loop3A_553 = arith.constant 0 : i32
        %parallel_loop3A_554 = arith.index_cast %parallel_loop3A_553 : i32 to index
        %parallel_loop3A_555 = arith.index_cast %parallel_loop3A_532 : i32 to index
        %parallel_loop3A_556 = tpu.vector_load %arg7[%parallel_loop3A_554, %parallel_loop3A_555] {strides = array<i32>} : memref<1x3136xf32, #tpu.memory_space<vmem>>, vector<16xf32>,
        %parallel_loop3A_557 = arith.minimumf %parallel_loop3A_556, %parallel_loop3A_552 : vector<16xf32>
        %parallel_loop3A_558 = arith.constant 0 : i32
        %parallel_loop3A_559 = arith.index_cast %parallel_loop3A_558 : i32 to index
        %parallel_loop3A_560 = arith.index_cast %parallel_loop3A_532 : i32 to index
        %parallel_loop3A_561 = tpu.vector_load %arg7[%parallel_loop3A_559, %parallel_loop3A_560] {strides = array<i32>} : memref<1x3136xf32, #tpu.memory_space<vmem>>, vector<16xf32>,
        tpu.vector_store %arg7[%parallel_loop3A_559, %parallel_loop3A_560], %parallel_loop3A_557 {strides = array<i32>} : memref<1x3136xf32, #tpu.memory_space<vmem>>, vector<16xf32>,
        %parallel_loop3A_562 = arith.cmpf ogt, %parallel_loop3A_557, %parallel_loop3A_529 : vector<16xf32>
        %parallel_loop3A_563 = arith.maximumf %parallel_loop3A_529, %parallel_loop3A_557 : vector<16xf32>
        %parallel_loop3A_564 = arith.addi %mul3A_7, %parallel_loop3A_532 : i32
        %parallel_loop3A_565 = vector.broadcast %parallel_loop3A_564 : i32 to vector<16xi32>
        %parallel_loop3A_566 = arith.addi %parallel_loop3A_565, %iota3A : vector<16xi32>
        %parallel_loop3A_567 = arith.select %parallel_loop3A_562, %parallel_loop3A_566, %parallel_loop3A_530 : vector<16xi1>, vector<16xi32>
        scf.yield %parallel_loop3A_563, %parallel_loop3A_567 : vector<16xf32>, vector<16xi32>
      } {sc.loop_unroll_factor = 4 : i64, sc.parallel_access}
      %reduce_max3A = arith.constant true
      %reduce_max3A_37 = vector.broadcast %reduce_max3A : i1 to vector<16xi1>
      %reduce_max3A_38 = tpu.scan <max>, %parallel_loop3A_36#0 masked %reduce_max3A_37 : vector<16xf32>, vector<16xi1> -> vector<16xf32>
      %reduce_max3A_39 = vector.extract %reduce_max3A_38[15] : f32 from vector<16xf32>
      %broadcast_in_dim3A_40 = vector.broadcast %reduce_max3A_39 : f32 to vector<16xf32>
      %eq3A_41 = arith.cmpf oeq, %parallel_loop3A_36#0, %broadcast_in_dim3A_40 : vector<16xf32>
      %select_n3A = arith.select %eq3A_41, %parallel_loop3A_36#1, %broadcast_in_dim3A_8 : vector<16xi1>, vector<16xi32>
      %reduce_min3A = arith.constant true
      %reduce_min3A_42 = vector.broadcast %reduce_min3A : i1 to vector<16xi1>
      %reduce_min3A_43 = arith.constant -2147483648 : i32
      %reduce_min3A_44 = vector.broadcast %reduce_min3A_43 : i32 to vector<16xi32>
      %reduce_min3A_45 = arith.xori %select_n3A, %reduce_min3A_44 : vector<16xi32>
      %reduce_min3A_46 = tpu.scan <min>, %reduce_min3A_45 masked %reduce_min3A_42 : vector<16xi32>, vector<16xi1> -> vector<16xi32>
      %reduce_min3A_47 = arith.xori %reduce_min3A_46, %reduce_min3A_44 : vector<16xi32>
      %reduce_min3A_48 = vector.extract %reduce_min3A_47[15] : i32 from vector<16xi32>
      %sub3A = arith.subi %reduce_min3A_48, %mul3A_7 : i32
      %get3A_49 = arith.constant 0 : i32
      %get3A_50 = arith.index_cast %get3A_49 : i32 to index
      %get3A_51 = arith.index_cast %sub3A : i32 to index
      %get3A_52 = tpu.vector_load %arg6[%get3A_50, %get3A_51] {strides = array<i32>} : memref<3x3152xf32, #tpu.memory_space<vmem>>, vector<16xf32>,
      %get3A_53 = arith.constant 1 : i32
      %get3A_54 = arith.index_cast %get3A_53 : i32 to index
      %get3A_55 = arith.index_cast %sub3A : i32 to index
      %get3A_56 = tpu.vector_load %arg6[%get3A_54, %get3A_55] {strides = array<i32>} : memref<3x3152xf32, #tpu.memory_space<vmem>>, vector<16xf32>,
      %get3A_57 = arith.constant 2 : i32
      %get3A_58 = arith.index_cast %get3A_57 : i32 to index
      %get3A_59 = arith.index_cast %sub3A : i32 to index
      %get3A_60 = tpu.vector_load %arg6[%get3A_58, %get3A_59] {strides = array<i32>} : memref<3x3152xf32, #tpu.memory_space<vmem>>, vector<16xf32>,
      %eq3A_61 = arith.constant 0 : i32
      %eq3A_62 = vector.broadcast %eq3A_61 : i32 to vector<16xi32>
      %eq3A_63 = arith.cmpi eq, %iota3A, %eq3A_62 : vector<16xi32>
      %slice3A_64 = vector.extract_strided_slice %get3A_52 {offsets = [0], sizes = [1], strides = [1]} : vector<16xf32> to vector<1xf32>
      %squeeze3A_65 = vector.extract %slice3A_64[0] : f32 from vector<1xf32>
      %broadcast_in_dim3A_66 = vector.broadcast %squeeze3A_65 : f32 to vector<16xf32>
      %eq3A_67 = arith.constant 1 : i32
      %eq3A_68 = vector.broadcast %eq3A_67 : i32 to vector<16xi32>
      %eq3A_69 = arith.cmpi eq, %iota3A, %eq3A_68 : vector<16xi32>
      %slice3A_70 = vector.extract_strided_slice %get3A_56 {offsets = [0], sizes = [1], strides = [1]} : vector<16xf32> to vector<1xf32>
      %squeeze3A_71 = vector.extract %slice3A_70[0] : f32 from vector<1xf32>
      %broadcast_in_dim3A_72 = vector.broadcast %squeeze3A_71 : f32 to vector<16xf32>
      %slice3A_73 = vector.extract_strided_slice %get3A_60 {offsets = [0], sizes = [1], strides = [1]} : vector<16xf32> to vector<1xf32>
      %squeeze3A_74 = vector.extract %slice3A_73[0] : f32 from vector<1xf32>
      %broadcast_in_dim3A_75 = vector.broadcast %squeeze3A_74 : f32 to vector<16xf32>
      %select_n3A_76 = arith.select %eq3A_69, %broadcast_in_dim3A_72, %broadcast_in_dim3A_75 : vector<16xi1>, vector<16xf32>
      %select_n3A_77 = arith.select %eq3A_63, %broadcast_in_dim3A_66, %select_n3A_76 : vector<16xi1>, vector<16xf32>
      %swap3A = arith.constant 0 : i32
      %swap3A_78 = arith.index_cast %swap3A : i32 to index
      %swap3A_79 = arith.constant 0 : index
      %swap3A_80 = tpu.vector_load %arg10[%swap3A_78, %swap3A_79] {strides = array<i32>} : memref<1x48xf32, #tpu.memory_space<vmem>>, vector<16xf32>,
      tpu.vector_store %arg10[%swap3A_78, %swap3A_79], %broadcast_in_dim3A_40 {strides = array<i32>} : memref<1x48xf32, #tpu.memory_space<vmem>>, vector<16xf32>,
      %broadcast_in_dim3A_81 = vector.broadcast %reduce_min3A_48 : i32 to vector<16xi32>
      %bitcast3A = vector.bitcast %broadcast_in_dim3A_81 : vector<16xi32> to vector<16xf32>
      %swap3A_82 = arith.constant 0 : i32
      %swap3A_83 = arith.index_cast %swap3A_82 : i32 to index
      %swap3A_84 = arith.constant 16 : index
      %swap3A_85 = tpu.vector_load %arg10[%swap3A_83, %swap3A_84] {strides = array<i32>} : memref<1x48xf32, #tpu.memory_space<vmem>>, vector<16xf32>,
      tpu.vector_store %arg10[%swap3A_83, %swap3A_84], %bitcast3A {strides = array<i32>} : memref<1x48xf32, #tpu.memory_space<vmem>>, vector<16xf32>,
      %swap3A_86 = arith.constant 0 : i32
      %swap3A_87 = arith.index_cast %swap3A_86 : i32 to index
      %swap3A_88 = arith.constant 32 : index
      %swap3A_89 = tpu.vector_load %arg10[%swap3A_87, %swap3A_88] {strides = array<i32>} : memref<1x48xf32, #tpu.memory_space<vmem>>, vector<16xf32>,
      tpu.vector_store %arg10[%swap3A_87, %swap3A_88], %select_n3A_77 {strides = array<i32>} : memref<1x48xf32, #tpu.memory_space<vmem>>, vector<16xf32>,
      %and3A = arith.constant 1 : i32
      %and3A_90 = arith.andi %scan3A_30, %and3A : i32
      %mul3A_91 = arith.constant 16 : i32
      %mul3A_92 = arith.muli %and3A_90, %mul3A_91 : i32
      %add3A = arith.addi %mul3A_92, %arg1 : i32
      "tpu.region"() ({
        %run_scoped3A = tpu.sem_alloc : memref<!tpu.dma_semaphore, #tpu.memory_space<semaphore_mem>>
        %dma_start3A = arith.constant 0 : i32
        %dma_start3A_528 = arith.constant 0 : i32
        %dma_start3A_529 = tpu.memref_slice %arg12[%add3A, %dma_start3A, %dma_start3A_528] : memref<32x1x48xf32, #tpu.memory_space<vmem_shared>> -> memref<1x1x48xf32, #tpu.memory_space<vmem_shared>>
        %dma_start3A_530 = tpu.memref_squeeze %dma_start3A_529 : memref<1x1x48xf32, #tpu.memory_space<vmem_shared>> -> memref<1x48xf32, #tpu.memory_space<vmem_shared>>
        %dma_start3A_531 = arith.constant 0 : i32
        %dma_start3A_532 = arith.constant 0 : i32
        %dma_start3A_533 = tpu.memref_slice %arg12[%add3A, %dma_start3A_531, %dma_start3A_532] : memref<32x1x48xf32, #tpu.memory_space<vmem_shared>> -> memref<1x1x48xf32, #tpu.memory_space<vmem_shared>>
        %dma_start3A_534 = tpu.memref_squeeze %dma_start3A_533 : memref<1x1x48xf32, #tpu.memory_space<vmem_shared>> -> memref<1x48xf32, #tpu.memory_space<vmem_shared>>
        tpu.enqueue_dma source(%arg10 : memref<1x48xf32, #tpu.memory_space<vmem>>) target(%dma_start3A_534 : memref<1x48xf32, #tpu.memory_space<vmem_shared>>) target_semaphore(%run_scoped3A : memref<!tpu.dma_semaphore, #tpu.memory_space<semaphore_mem>>)
        %dma_wait3A = arith.constant 0 : i32
        %dma_wait3A_535 = arith.constant 0 : i32
        %dma_wait3A_536 = tpu.memref_slice %arg12[%add3A, %dma_wait3A, %dma_wait3A_535] : memref<32x1x48xf32, #tpu.memory_space<vmem_shared>> -> memref<1x1x48xf32, #tpu.memory_space<vmem_shared>>
        %dma_wait3A_537 = tpu.memref_squeeze %dma_wait3A_536 : memref<1x1x48xf32, #tpu.memory_space<vmem_shared>> -> memref<1x48xf32, #tpu.memory_space<vmem_shared>>
        %dma_wait3A_538 = arith.constant 0 : i32
        %dma_wait3A_539 = arith.constant 0 : i32
        %dma_wait3A_540 = tpu.memref_slice %arg12[%add3A, %dma_wait3A_538, %dma_wait3A_539] : memref<32x1x48xf32, #tpu.memory_space<vmem_shared>> -> memref<1x1x48xf32, #tpu.memory_space<vmem_shared>>
        %dma_wait3A_541 = tpu.memref_squeeze %dma_wait3A_540 : memref<1x1x48xf32, #tpu.memory_space<vmem_shared>> -> memref<1x48xf32, #tpu.memory_space<vmem_shared>>
        tpu.wait_dma2 semaphore(%run_scoped3A : memref<!tpu.dma_semaphore, #tpu.memory_space<semaphore_mem>>) src(%arg10 : memref<1x48xf32, #tpu.memory_space<vmem>>) dst(%dma_wait3A_541 : memref<1x48xf32, #tpu.memory_space<vmem_shared>>)
        tpu.yield
      }) : () -> ()
      %barrier3A = arith.constant 0 : index
      tpu.barrier barrier_id(%barrier3A)
      "tpu.region"() ({
        %run_scoped3A = tpu.sem_alloc : memref<!tpu.dma_semaphore, #tpu.memory_space<semaphore_mem>>
        %dma_start3A = arith.constant 0 : i32
        %dma_start3A_528 = arith.constant 0 : i32
        %dma_start3A_529 = tpu.memref_slice %arg12[%mul3A_92, %dma_start3A, %dma_start3A_528] : memref<32x1x48xf32, #tpu.memory_space<vmem_shared>> -> memref<16x1x48xf32, #tpu.memory_space<vmem_shared>>
        %dma_start3A_530 = arith.constant 0 : i32
        %dma_start3A_531 = arith.constant 0 : i32
        %dma_start3A_532 = tpu.memref_slice %arg12[%mul3A_92, %dma_start3A_530, %dma_start3A_531] : memref<32x1x48xf32, #tpu.memory_space<vmem_shared>> -> memref<16x1x48xf32, #tpu.memory_space<vmem_shared>>
        tpu.enqueue_dma source(%dma_start3A_532 : memref<16x1x48xf32, #tpu.memory_space<vmem_shared>>) target(%arg9 : memref<16x1x48xf32, #tpu.memory_space<vmem>>) target_semaphore(%run_scoped3A : memref<!tpu.dma_semaphore, #tpu.memory_space<semaphore_mem>>)
        %dma_wait3A = arith.constant 0 : i32
        %dma_wait3A_533 = arith.constant 0 : i32
        %dma_wait3A_534 = tpu.memref_slice %arg12[%mul3A_92, %dma_wait3A, %dma_wait3A_533] : memref<32x1x48xf32, #tpu.memory_space<vmem_shared>> -> memref<16x1x48xf32, #tpu.memory_space<vmem_shared>>
        %dma_wait3A_535 = arith.constant 0 : i32
        %dma_wait3A_536 = arith.constant 0 : i32
        %dma_wait3A_537 = tpu.memref_slice %arg12[%mul3A_92, %dma_wait3A_535, %dma_wait3A_536] : memref<32x1x48xf32, #tpu.memory_space<vmem_shared>> -> memref<16x1x48xf32, #tpu.memory_space<vmem_shared>>
        tpu.wait_dma2 semaphore(%run_scoped3A : memref<!tpu.dma_semaphore, #tpu.memory_space<semaphore_mem>>) src(%dma_wait3A_537 : memref<16x1x48xf32, #tpu.memory_space<vmem_shared>>) dst(%arg9 : memref<16x1x48xf32, #tpu.memory_space<vmem>>)
        tpu.yield
      }) : () -> ()
      %get3A_93 = arith.constant 0 : i32
      %get3A_94 = arith.constant 0 : i32
      %get3A_95 = arith.index_cast %get3A_93 : i32 to index
      %get3A_96 = arith.index_cast %get3A_94 : i32 to index
      %get3A_97 = arith.constant 0 : index
      %get3A_98 = tpu.vector_load %arg9[%get3A_95, %get3A_96, %get3A_97] {strides = array<i32>} : memref<16x1x48xf32, #tpu.memory_space<vmem>>, vector<16xf32>,
      %get3A_99 = arith.constant 0 : i32
      %get3A_100 = arith.constant 0 : i32
      %get3A_101 = arith.index_cast %get3A_99 : i32 to index
      %get3A_102 = arith.index_cast %get3A_100 : i32 to index
      %get3A_103 = arith.constant 16 : index
      %get3A_104 = tpu.vector_load %arg9[%get3A_101, %get3A_102, %get3A_103] {strides = array<i32>} : memref<16x1x48xf32, #tpu.memory_space<vmem>>, vector<16xf32>,
      %bitcast3A_105 = vector.bitcast %get3A_104 : vector<16xf32> to vector<16xi32>
      %get3A_106 = arith.constant 0 : i32
      %get3A_107 = arith.constant 0 : i32
      %get3A_108 = arith.index_cast %get3A_106 : i32 to index
      %get3A_109 = arith.index_cast %get3A_107 : i32 to index
      %get3A_110 = arith.constant 32 : index
      %get3A_111 = tpu.vector_load %arg9[%get3A_108, %get3A_109, %get3A_110] {strides = array<i32>} : memref<16x1x48xf32, #tpu.memory_space<vmem>>, vector<16xf32>,
      %get3A_112 = arith.constant 1 : i32
      %get3A_113 = arith.constant 0 : i32
      %get3A_114 = arith.index_cast %get3A_112 : i32 to index
      %get3A_115 = arith.index_cast %get3A_113 : i32 to index
      %get3A_116 = arith.constant 0 : index
      %get3A_117 = tpu.vector_load %arg9[%get3A_114, %get3A_115, %get3A_116] {strides = array<i32>} : memref<16x1x48xf32, #tpu.memory_space<vmem>>, vector<16xf32>,
      %get3A_118 = arith.constant 1 : i32
      %get3A_119 = arith.constant 0 : i32
      %get3A_120 = arith.index_cast %get3A_118 : i32 to index
      %get3A_121 = arith.index_cast %get3A_119 : i32 to index
      %get3A_122 = arith.constant 16 : index
      %get3A_123 = tpu.vector_load %arg9[%get3A_120, %get3A_121, %get3A_122] {strides = array<i32>} : memref<16x1x48xf32, #tpu.memory_space<vmem>>, vector<16xf32>,
      %bitcast3A_124 = vector.bitcast %get3A_123 : vector<16xf32> to vector<16xi32>
      %get3A_125 = arith.constant 1 : i32
      %get3A_126 = arith.constant 0 : i32
      %get3A_127 = arith.index_cast %get3A_125 : i32 to index
      %get3A_128 = arith.index_cast %get3A_126 : i32 to index
      %get3A_129 = arith.constant 32 : index
      %get3A_130 = tpu.vector_load %arg9[%get3A_127, %get3A_128, %get3A_129] {strides = array<i32>} : memref<16x1x48xf32, #tpu.memory_space<vmem>>, vector<16xf32>,
      %gt3A = arith.cmpf ogt, %get3A_117, %get3A_98 : vector<16xf32>
      %eq3A_131 = arith.cmpf oeq, %get3A_117, %get3A_98 : vector<16xf32>
      %lt3A = arith.cmpi slt, %bitcast3A_124, %bitcast3A_105 : vector<16xi32>
      %and3A_132 = arith.andi %eq3A_131, %lt3A : vector<16xi1>
      %or3A = arith.ori %gt3A, %and3A_132 : vector<16xi1>
      %select_n3A_133 = arith.select %or3A, %get3A_117, %get3A_98 : vector<16xi1>, vector<16xf32>
      %select_n3A_134 = arith.select %or3A, %bitcast3A_124, %bitcast3A_105 : vector<16xi1>, vector<16xi32>
      %select_n3A_135 = arith.select %or3A, %get3A_130, %get3A_111 : vector<16xi1>, vector<16xf32>
      %get3A_136 = arith.constant 2 : i32
      %get3A_137 = arith.constant 0 : i32
      %get3A_138 = arith.index_cast %get3A_136 : i32 to index
      %get3A_139 = arith.index_cast %get3A_137 : i32 to index
      %get3A_140 = arith.constant 0 : index
      %get3A_141 = tpu.vector_load %arg9[%get3A_138, %get3A_139, %get3A_140] {strides = array<i32>} : memref<16x1x48xf32, #tpu.memory_space<vmem>>, vector<16xf32>,
      %get3A_142 = arith.constant 2 : i32
      %get3A_143 = arith.constant 0 : i32
      %get3A_144 = arith.index_cast %get3A_142 : i32 to index
      %get3A_145 = arith.index_cast %get3A_143 : i32 to index
      %get3A_146 = arith.constant 16 : index
      %get3A_147 = tpu.vector_load %arg9[%get3A_144, %get3A_145, %get3A_146] {strides = array<i32>} : memref<16x1x48xf32, #tpu.memory_space<vmem>>, vector<16xf32>,
      %bitcast3A_148 = vector.bitcast %get3A_147 : vector<16xf32> to vector<16xi32>
      %get3A_149 = arith.constant 2 : i32
      %get3A_150 = arith.constant 0 : i32
      %get3A_151 = arith.index_cast %get3A_149 : i32 to index
      %get3A_152 = arith.index_cast %get3A_150 : i32 to index
      %get3A_153 = arith.constant 32 : index
      %get3A_154 = tpu.vector_load %arg9[%get3A_151, %get3A_152, %get3A_153] {strides = array<i32>} : memref<16x1x48xf32, #tpu.memory_space<vmem>>, vector<16xf32>,
      %gt3A_155 = arith.cmpf ogt, %get3A_141, %select_n3A_133 : vector<16xf32>
      %eq3A_156 = arith.cmpf oeq, %get3A_141, %select_n3A_133 : vector<16xf32>
      %lt3A_157 = arith.cmpi slt, %bitcast3A_148, %select_n3A_134 : vector<16xi32>
      %and3A_158 = arith.andi %eq3A_156, %lt3A_157 : vector<16xi1>
      %or3A_159 = arith.ori %gt3A_155, %and3A_158 : vector<16xi1>
      %select_n3A_160 = arith.select %or3A_159, %get3A_141, %select_n3A_133 : vector<16xi1>, vector<16xf32>
      %select_n3A_161 = arith.select %or3A_159, %bitcast3A_148, %select_n3A_134 : vector<16xi1>, vector<16xi32>
      %select_n3A_162 = arith.select %or3A_159, %get3A_154, %select_n3A_135 : vector<16xi1>, vector<16xf32>
      %get3A_163 = arith.constant 3 : i32
      %get3A_164 = arith.constant 0 : i32
      %get3A_165 = arith.index_cast %get3A_163 : i32 to index
      %get3A_166 = arith.index_cast %get3A_164 : i32 to index
      %get3A_167 = arith.constant 0 : index
      %get3A_168 = tpu.vector_load %arg9[%get3A_165, %get3A_166, %get3A_167] {strides = array<i32>} : memref<16x1x48xf32, #tpu.memory_space<vmem>>, vector<16xf32>,
      %get3A_169 = arith.constant 3 : i32
      %get3A_170 = arith.constant 0 : i32
      %get3A_171 = arith.index_cast %get3A_169 : i32 to index
      %get3A_172 = arith.index_cast %get3A_170 : i32 to index
      %get3A_173 = arith.constant 16 : index
      %get3A_174 = tpu.vector_load %arg9[%get3A_171, %get3A_172, %get3A_173] {strides = array<i32>} : memref<16x1x48xf32, #tpu.memory_space<vmem>>, vector<16xf32>,
      %bitcast3A_175 = vector.bitcast %get3A_174 : vector<16xf32> to vector<16xi32>
      %get3A_176 = arith.constant 3 : i32
      %get3A_177 = arith.constant 0 : i32
      %get3A_178 = arith.index_cast %get3A_176 : i32 to index
      %get3A_179 = arith.index_cast %get3A_177 : i32 to index
      %get3A_180 = arith.constant 32 : index
      %get3A_181 = tpu.vector_load %arg9[%get3A_178, %get3A_179, %get3A_180] {strides = array<i32>} : memref<16x1x48xf32, #tpu.memory_space<vmem>>, vector<16xf32>,
      %gt3A_182 = arith.cmpf ogt, %get3A_168, %select_n3A_160 : vector<16xf32>
      %eq3A_183 = arith.cmpf oeq, %get3A_168, %select_n3A_160 : vector<16xf32>
      %lt3A_184 = arith.cmpi slt, %bitcast3A_175, %select_n3A_161 : vector<16xi32>
      %and3A_185 = arith.andi %eq3A_183, %lt3A_184 : vector<16xi1>
      %or3A_186 = arith.ori %gt3A_182, %and3A_185 : vector<16xi1>
      %select_n3A_187 = arith.select %or3A_186, %get3A_168, %select_n3A_160 : vector<16xi1>, vector<16xf32>
      %select_n3A_188 = arith.select %or3A_186, %bitcast3A_175, %select_n3A_161 : vector<16xi1>, vector<16xi32>
      %select_n3A_189 = arith.select %or3A_186, %get3A_181, %select_n3A_162 : vector<16xi1>, vector<16xf32>
      %get3A_190 = arith.constant 4 : i32
      %get3A_191 = arith.constant 0 : i32
      %get3A_192 = arith.index_cast %get3A_190 : i32 to index
      %get3A_193 = arith.index_cast %get3A_191 : i32 to index
      %get3A_194 = arith.constant 0 : index
      %get3A_195 = tpu.vector_load %arg9[%get3A_192, %get3A_193, %get3A_194] {strides = array<i32>} : memref<16x1x48xf32, #tpu.memory_space<vmem>>, vector<16xf32>,
      %get3A_196 = arith.constant 4 : i32
      %get3A_197 = arith.constant 0 : i32
      %get3A_198 = arith.index_cast %get3A_196 : i32 to index
      %get3A_199 = arith.index_cast %get3A_197 : i32 to index
      %get3A_200 = arith.constant 16 : index
      %get3A_201 = tpu.vector_load %arg9[%get3A_198, %get3A_199, %get3A_200] {strides = array<i32>} : memref<16x1x48xf32, #tpu.memory_space<vmem>>, vector<16xf32>,
      %bitcast3A_202 = vector.bitcast %get3A_201 : vector<16xf32> to vector<16xi32>
      %get3A_203 = arith.constant 4 : i32
      %get3A_204 = arith.constant 0 : i32
      %get3A_205 = arith.index_cast %get3A_203 : i32 to index
      %get3A_206 = arith.index_cast %get3A_204 : i32 to index
      %get3A_207 = arith.constant 32 : index
      %get3A_208 = tpu.vector_load %arg9[%get3A_205, %get3A_206, %get3A_207] {strides = array<i32>} : memref<16x1x48xf32, #tpu.memory_space<vmem>>, vector<16xf32>,
      %gt3A_209 = arith.cmpf ogt, %get3A_195, %select_n3A_187 : vector<16xf32>
      %eq3A_210 = arith.cmpf oeq, %get3A_195, %select_n3A_187 : vector<16xf32>
      %lt3A_211 = arith.cmpi slt, %bitcast3A_202, %select_n3A_188 : vector<16xi32>
      %and3A_212 = arith.andi %eq3A_210, %lt3A_211 : vector<16xi1>
      %or3A_213 = arith.ori %gt3A_209, %and3A_212 : vector<16xi1>
      %select_n3A_214 = arith.select %or3A_213, %get3A_195, %select_n3A_187 : vector<16xi1>, vector<16xf32>
      %select_n3A_215 = arith.select %or3A_213, %bitcast3A_202, %select_n3A_188 : vector<16xi1>, vector<16xi32>
      %select_n3A_216 = arith.select %or3A_213, %get3A_208, %select_n3A_189 : vector<16xi1>, vector<16xf32>
      %get3A_217 = arith.constant 5 : i32
      %get3A_218 = arith.constant 0 : i32
      %get3A_219 = arith.index_cast %get3A_217 : i32 to index
      %get3A_220 = arith.index_cast %get3A_218 : i32 to index
      %get3A_221 = arith.constant 0 : index
      %get3A_222 = tpu.vector_load %arg9[%get3A_219, %get3A_220, %get3A_221] {strides = array<i32>} : memref<16x1x48xf32, #tpu.memory_space<vmem>>, vector<16xf32>,
      %get3A_223 = arith.constant 5 : i32
      %get3A_224 = arith.constant 0 : i32
      %get3A_225 = arith.index_cast %get3A_223 : i32 to index
      %get3A_226 = arith.index_cast %get3A_224 : i32 to index
      %get3A_227 = arith.constant 16 : index
      %get3A_228 = tpu.vector_load %arg9[%get3A_225, %get3A_226, %get3A_227] {strides = array<i32>} : memref<16x1x48xf32, #tpu.memory_space<vmem>>, vector<16xf32>,
      %bitcast3A_229 = vector.bitcast %get3A_228 : vector<16xf32> to vector<16xi32>
      %get3A_230 = arith.constant 5 : i32
      %get3A_231 = arith.constant 0 : i32
      %get3A_232 = arith.index_cast %get3A_230 : i32 to index
      %get3A_233 = arith.index_cast %get3A_231 : i32 to index
      %get3A_234 = arith.constant 32 : index
      %get3A_235 = tpu.vector_load %arg9[%get3A_232, %get3A_233, %get3A_234] {strides = array<i32>} : memref<16x1x48xf32, #tpu.memory_space<vmem>>, vector<16xf32>,
      %gt3A_236 = arith.cmpf ogt, %get3A_222, %select_n3A_214 : vector<16xf32>
      %eq3A_237 = arith.cmpf oeq, %get3A_222, %select_n3A_214 : vector<16xf32>
      %lt3A_238 = arith.cmpi slt, %bitcast3A_229, %select_n3A_215 : vector<16xi32>
      %and3A_239 = arith.andi %eq3A_237, %lt3A_238 : vector<16xi1>
      %or3A_240 = arith.ori %gt3A_236, %and3A_239 : vector<16xi1>
      %select_n3A_241 = arith.select %or3A_240, %get3A_222, %select_n3A_214 : vector<16xi1>, vector<16xf32>
      %select_n3A_242 = arith.select %or3A_240, %bitcast3A_229, %select_n3A_215 : vector<16xi1>, vector<16xi32>
      %select_n3A_243 = arith.select %or3A_240, %get3A_235, %select_n3A_216 : vector<16xi1>, vector<16xf32>
      %get3A_244 = arith.constant 6 : i32
      %get3A_245 = arith.constant 0 : i32
      %get3A_246 = arith.index_cast %get3A_244 : i32 to index
      %get3A_247 = arith.index_cast %get3A_245 : i32 to index
      %get3A_248 = arith.constant 0 : index
      %get3A_249 = tpu.vector_load %arg9[%get3A_246, %get3A_247, %get3A_248] {strides = array<i32>} : memref<16x1x48xf32, #tpu.memory_space<vmem>>, vector<16xf32>,
      %get3A_250 = arith.constant 6 : i32
      %get3A_251 = arith.constant 0 : i32
      %get3A_252 = arith.index_cast %get3A_250 : i32 to index
      %get3A_253 = arith.index_cast %get3A_251 : i32 to index
      %get3A_254 = arith.constant 16 : index
      %get3A_255 = tpu.vector_load %arg9[%get3A_252, %get3A_253, %get3A_254] {strides = array<i32>} : memref<16x1x48xf32, #tpu.memory_space<vmem>>, vector<16xf32>,
      %bitcast3A_256 = vector.bitcast %get3A_255 : vector<16xf32> to vector<16xi32>
      %get3A_257 = arith.constant 6 : i32
      %get3A_258 = arith.constant 0 : i32
      %get3A_259 = arith.index_cast %get3A_257 : i32 to index
      %get3A_260 = arith.index_cast %get3A_258 : i32 to index
      %get3A_261 = arith.constant 32 : index
      %get3A_262 = tpu.vector_load %arg9[%get3A_259, %get3A_260, %get3A_261] {strides = array<i32>} : memref<16x1x48xf32, #tpu.memory_space<vmem>>, vector<16xf32>,
      %gt3A_263 = arith.cmpf ogt, %get3A_249, %select_n3A_241 : vector<16xf32>
      %eq3A_264 = arith.cmpf oeq, %get3A_249, %select_n3A_241 : vector<16xf32>
      %lt3A_265 = arith.cmpi slt, %bitcast3A_256, %select_n3A_242 : vector<16xi32>
      %and3A_266 = arith.andi %eq3A_264, %lt3A_265 : vector<16xi1>
      %or3A_267 = arith.ori %gt3A_263, %and3A_266 : vector<16xi1>
      %select_n3A_268 = arith.select %or3A_267, %get3A_249, %select_n3A_241 : vector<16xi1>, vector<16xf32>
      %select_n3A_269 = arith.select %or3A_267, %bitcast3A_256, %select_n3A_242 : vector<16xi1>, vector<16xi32>
      %select_n3A_270 = arith.select %or3A_267, %get3A_262, %select_n3A_243 : vector<16xi1>, vector<16xf32>
      %get3A_271 = arith.constant 7 : i32
      %get3A_272 = arith.constant 0 : i32
      %get3A_273 = arith.index_cast %get3A_271 : i32 to index
      %get3A_274 = arith.index_cast %get3A_272 : i32 to index
      %get3A_275 = arith.constant 0 : index
      %get3A_276 = tpu.vector_load %arg9[%get3A_273, %get3A_274, %get3A_275] {strides = array<i32>} : memref<16x1x48xf32, #tpu.memory_space<vmem>>, vector<16xf32>,
      %get3A_277 = arith.constant 7 : i32
      %get3A_278 = arith.constant 0 : i32
      %get3A_279 = arith.index_cast %get3A_277 : i32 to index
      %get3A_280 = arith.index_cast %get3A_278 : i32 to index
      %get3A_281 = arith.constant 16 : index
      %get3A_282 = tpu.vector_load %arg9[%get3A_279, %get3A_280, %get3A_281] {strides = array<i32>} : memref<16x1x48xf32, #tpu.memory_space<vmem>>, vector<16xf32>,
      %bitcast3A_283 = vector.bitcast %get3A_282 : vector<16xf32> to vector<16xi32>
      %get3A_284 = arith.constant 7 : i32
      %get3A_285 = arith.constant 0 : i32
      %get3A_286 = arith.index_cast %get3A_284 : i32 to index
      %get3A_287 = arith.index_cast %get3A_285 : i32 to index
      %get3A_288 = arith.constant 32 : index
      %get3A_289 = tpu.vector_load %arg9[%get3A_286, %get3A_287, %get3A_288] {strides = array<i32>} : memref<16x1x48xf32, #tpu.memory_space<vmem>>, vector<16xf32>,
      %gt3A_290 = arith.cmpf ogt, %get3A_276, %select_n3A_268 : vector<16xf32>
      %eq3A_291 = arith.cmpf oeq, %get3A_276, %select_n3A_268 : vector<16xf32>
      %lt3A_292 = arith.cmpi slt, %bitcast3A_283, %select_n3A_269 : vector<16xi32>
      %and3A_293 = arith.andi %eq3A_291, %lt3A_292 : vector<16xi1>
      %or3A_294 = arith.ori %gt3A_290, %and3A_293 : vector<16xi1>
      %select_n3A_295 = arith.select %or3A_294, %get3A_276, %select_n3A_268 : vector<16xi1>, vector<16xf32>
      %select_n3A_296 = arith.select %or3A_294, %bitcast3A_283, %select_n3A_269 : vector<16xi1>, vector<16xi32>
      %select_n3A_297 = arith.select %or3A_294, %get3A_289, %select_n3A_270 : vector<16xi1>, vector<16xf32>
      %get3A_298 = arith.constant 8 : i32
      %get3A_299 = arith.constant 0 : i32
      %get3A_300 = arith.index_cast %get3A_298 : i32 to index
      %get3A_301 = arith.index_cast %get3A_299 : i32 to index
      %get3A_302 = arith.constant 0 : index
      %get3A_303 = tpu.vector_load %arg9[%get3A_300, %get3A_301, %get3A_302] {strides = array<i32>} : memref<16x1x48xf32, #tpu.memory_space<vmem>>, vector<16xf32>,
      %get3A_304 = arith.constant 8 : i32
      %get3A_305 = arith.constant 0 : i32
      %get3A_306 = arith.index_cast %get3A_304 : i32 to index
      %get3A_307 = arith.index_cast %get3A_305 : i32 to index
      %get3A_308 = arith.constant 16 : index
      %get3A_309 = tpu.vector_load %arg9[%get3A_306, %get3A_307, %get3A_308] {strides = array<i32>} : memref<16x1x48xf32, #tpu.memory_space<vmem>>, vector<16xf32>,
      %bitcast3A_310 = vector.bitcast %get3A_309 : vector<16xf32> to vector<16xi32>
      %get3A_311 = arith.constant 8 : i32
      %get3A_312 = arith.constant 0 : i32
      %get3A_313 = arith.index_cast %get3A_311 : i32 to index
      %get3A_314 = arith.index_cast %get3A_312 : i32 to index
      %get3A_315 = arith.constant 32 : index
      %get3A_316 = tpu.vector_load %arg9[%get3A_313, %get3A_314, %get3A_315] {strides = array<i32>} : memref<16x1x48xf32, #tpu.memory_space<vmem>>, vector<16xf32>,
      %gt3A_317 = arith.cmpf ogt, %get3A_303, %select_n3A_295 : vector<16xf32>
      %eq3A_318 = arith.cmpf oeq, %get3A_303, %select_n3A_295 : vector<16xf32>
      %lt3A_319 = arith.cmpi slt, %bitcast3A_310, %select_n3A_296 : vector<16xi32>
      %and3A_320 = arith.andi %eq3A_318, %lt3A_319 : vector<16xi1>
      %or3A_321 = arith.ori %gt3A_317, %and3A_320 : vector<16xi1>
      %select_n3A_322 = arith.select %or3A_321, %get3A_303, %select_n3A_295 : vector<16xi1>, vector<16xf32>
      %select_n3A_323 = arith.select %or3A_321, %bitcast3A_310, %select_n3A_296 : vector<16xi1>, vector<16xi32>
      %select_n3A_324 = arith.select %or3A_321, %get3A_316, %select_n3A_297 : vector<16xi1>, vector<16xf32>
      %get3A_325 = arith.constant 9 : i32
      %get3A_326 = arith.constant 0 : i32
      %get3A_327 = arith.index_cast %get3A_325 : i32 to index
      %get3A_328 = arith.index_cast %get3A_326 : i32 to index
      %get3A_329 = arith.constant 0 : index
      %get3A_330 = tpu.vector_load %arg9[%get3A_327, %get3A_328, %get3A_329] {strides = array<i32>} : memref<16x1x48xf32, #tpu.memory_space<vmem>>, vector<16xf32>,
      %get3A_331 = arith.constant 9 : i32
      %get3A_332 = arith.constant 0 : i32
      %get3A_333 = arith.index_cast %get3A_331 : i32 to index
      %get3A_334 = arith.index_cast %get3A_332 : i32 to index
      %get3A_335 = arith.constant 16 : index
      %get3A_336 = tpu.vector_load %arg9[%get3A_333, %get3A_334, %get3A_335] {strides = array<i32>} : memref<16x1x48xf32, #tpu.memory_space<vmem>>, vector<16xf32>,
      %bitcast3A_337 = vector.bitcast %get3A_336 : vector<16xf32> to vector<16xi32>
      %get3A_338 = arith.constant 9 : i32
      %get3A_339 = arith.constant 0 : i32
      %get3A_340 = arith.index_cast %get3A_338 : i32 to index
      %get3A_341 = arith.index_cast %get3A_339 : i32 to index
      %get3A_342 = arith.constant 32 : index
      %get3A_343 = tpu.vector_load %arg9[%get3A_340, %get3A_341, %get3A_342] {strides = array<i32>} : memref<16x1x48xf32, #tpu.memory_space<vmem>>, vector<16xf32>,
      %gt3A_344 = arith.cmpf ogt, %get3A_330, %select_n3A_322 : vector<16xf32>
      %eq3A_345 = arith.cmpf oeq, %get3A_330, %select_n3A_322 : vector<16xf32>
      %lt3A_346 = arith.cmpi slt, %bitcast3A_337, %select_n3A_323 : vector<16xi32>
      %and3A_347 = arith.andi %eq3A_345, %lt3A_346 : vector<16xi1>
      %or3A_348 = arith.ori %gt3A_344, %and3A_347 : vector<16xi1>
      %select_n3A_349 = arith.select %or3A_348, %get3A_330, %select_n3A_322 : vector<16xi1>, vector<16xf32>
      %select_n3A_350 = arith.select %or3A_348, %bitcast3A_337, %select_n3A_323 : vector<16xi1>, vector<16xi32>
      %select_n3A_351 = arith.select %or3A_348, %get3A_343, %select_n3A_324 : vector<16xi1>, vector<16xf32>
      %get3A_352 = arith.constant 10 : i32
      %get3A_353 = arith.constant 0 : i32
      %get3A_354 = arith.index_cast %get3A_352 : i32 to index
      %get3A_355 = arith.index_cast %get3A_353 : i32 to index
      %get3A_356 = arith.constant 0 : index
      %get3A_357 = tpu.vector_load %arg9[%get3A_354, %get3A_355, %get3A_356] {strides = array<i32>} : memref<16x1x48xf32, #tpu.memory_space<vmem>>, vector<16xf32>,
      %get3A_358 = arith.constant 10 : i32
      %get3A_359 = arith.constant 0 : i32
      %get3A_360 = arith.index_cast %get3A_358 : i32 to index
      %get3A_361 = arith.index_cast %get3A_359 : i32 to index
      %get3A_362 = arith.constant 16 : index
      %get3A_363 = tpu.vector_load %arg9[%get3A_360, %get3A_361, %get3A_362] {strides = array<i32>} : memref<16x1x48xf32, #tpu.memory_space<vmem>>, vector<16xf32>,
      %bitcast3A_364 = vector.bitcast %get3A_363 : vector<16xf32> to vector<16xi32>
      %get3A_365 = arith.constant 10 : i32
      %get3A_366 = arith.constant 0 : i32
      %get3A_367 = arith.index_cast %get3A_365 : i32 to index
      %get3A_368 = arith.index_cast %get3A_366 : i32 to index
      %get3A_369 = arith.constant 32 : index
      %get3A_370 = tpu.vector_load %arg9[%get3A_367, %get3A_368, %get3A_369] {strides = array<i32>} : memref<16x1x48xf32, #tpu.memory_space<vmem>>, vector<16xf32>,
      %gt3A_371 = arith.cmpf ogt, %get3A_357, %select_n3A_349 : vector<16xf32>
      %eq3A_372 = arith.cmpf oeq, %get3A_357, %select_n3A_349 : vector<16xf32>
      %lt3A_373 = arith.cmpi slt, %bitcast3A_364, %select_n3A_350 : vector<16xi32>
      %and3A_374 = arith.andi %eq3A_372, %lt3A_373 : vector<16xi1>
      %or3A_375 = arith.ori %gt3A_371, %and3A_374 : vector<16xi1>
      %select_n3A_376 = arith.select %or3A_375, %get3A_357, %select_n3A_349 : vector<16xi1>, vector<16xf32>
      %select_n3A_377 = arith.select %or3A_375, %bitcast3A_364, %select_n3A_350 : vector<16xi1>, vector<16xi32>
      %select_n3A_378 = arith.select %or3A_375, %get3A_370, %select_n3A_351 : vector<16xi1>, vector<16xf32>
      %get3A_379 = arith.constant 11 : i32
      %get3A_380 = arith.constant 0 : i32
      %get3A_381 = arith.index_cast %get3A_379 : i32 to index
      %get3A_382 = arith.index_cast %get3A_380 : i32 to index
      %get3A_383 = arith.constant 0 : index
      %get3A_384 = tpu.vector_load %arg9[%get3A_381, %get3A_382, %get3A_383] {strides = array<i32>} : memref<16x1x48xf32, #tpu.memory_space<vmem>>, vector<16xf32>,
      %get3A_385 = arith.constant 11 : i32
      %get3A_386 = arith.constant 0 : i32
      %get3A_387 = arith.index_cast %get3A_385 : i32 to index
      %get3A_388 = arith.index_cast %get3A_386 : i32 to index
      %get3A_389 = arith.constant 16 : index
      %get3A_390 = tpu.vector_load %arg9[%get3A_387, %get3A_388, %get3A_389] {strides = array<i32>} : memref<16x1x48xf32, #tpu.memory_space<vmem>>, vector<16xf32>,
      %bitcast3A_391 = vector.bitcast %get3A_390 : vector<16xf32> to vector<16xi32>
      %get3A_392 = arith.constant 11 : i32
      %get3A_393 = arith.constant 0 : i32
      %get3A_394 = arith.index_cast %get3A_392 : i32 to index
      %get3A_395 = arith.index_cast %get3A_393 : i32 to index
      %get3A_396 = arith.constant 32 : index
      %get3A_397 = tpu.vector_load %arg9[%get3A_394, %get3A_395, %get3A_396] {strides = array<i32>} : memref<16x1x48xf32, #tpu.memory_space<vmem>>, vector<16xf32>,
      %gt3A_398 = arith.cmpf ogt, %get3A_384, %select_n3A_376 : vector<16xf32>
      %eq3A_399 = arith.cmpf oeq, %get3A_384, %select_n3A_376 : vector<16xf32>
      %lt3A_400 = arith.cmpi slt, %bitcast3A_391, %select_n3A_377 : vector<16xi32>
      %and3A_401 = arith.andi %eq3A_399, %lt3A_400 : vector<16xi1>
      %or3A_402 = arith.ori %gt3A_398, %and3A_401 : vector<16xi1>
      %select_n3A_403 = arith.select %or3A_402, %get3A_384, %select_n3A_376 : vector<16xi1>, vector<16xf32>
      %select_n3A_404 = arith.select %or3A_402, %bitcast3A_391, %select_n3A_377 : vector<16xi1>, vector<16xi32>
      %select_n3A_405 = arith.select %or3A_402, %get3A_397, %select_n3A_378 : vector<16xi1>, vector<16xf32>
      %get3A_406 = arith.constant 12 : i32
      %get3A_407 = arith.constant 0 : i32
      %get3A_408 = arith.index_cast %get3A_406 : i32 to index
      %get3A_409 = arith.index_cast %get3A_407 : i32 to index
      %get3A_410 = arith.constant 0 : index
      %get3A_411 = tpu.vector_load %arg9[%get3A_408, %get3A_409, %get3A_410] {strides = array<i32>} : memref<16x1x48xf32, #tpu.memory_space<vmem>>, vector<16xf32>,
      %get3A_412 = arith.constant 12 : i32
      %get3A_413 = arith.constant 0 : i32
      %get3A_414 = arith.index_cast %get3A_412 : i32 to index
      %get3A_415 = arith.index_cast %get3A_413 : i32 to index
      %get3A_416 = arith.constant 16 : index
      %get3A_417 = tpu.vector_load %arg9[%get3A_414, %get3A_415, %get3A_416] {strides = array<i32>} : memref<16x1x48xf32, #tpu.memory_space<vmem>>, vector<16xf32>,
      %bitcast3A_418 = vector.bitcast %get3A_417 : vector<16xf32> to vector<16xi32>
      %get3A_419 = arith.constant 12 : i32
      %get3A_420 = arith.constant 0 : i32
      %get3A_421 = arith.index_cast %get3A_419 : i32 to index
      %get3A_422 = arith.index_cast %get3A_420 : i32 to index
      %get3A_423 = arith.constant 32 : index
      %get3A_424 = tpu.vector_load %arg9[%get3A_421, %get3A_422, %get3A_423] {strides = array<i32>} : memref<16x1x48xf32, #tpu.memory_space<vmem>>, vector<16xf32>,
      %gt3A_425 = arith.cmpf ogt, %get3A_411, %select_n3A_403 : vector<16xf32>
      %eq3A_426 = arith.cmpf oeq, %get3A_411, %select_n3A_403 : vector<16xf32>
      %lt3A_427 = arith.cmpi slt, %bitcast3A_418, %select_n3A_404 : vector<16xi32>
      %and3A_428 = arith.andi %eq3A_426, %lt3A_427 : vector<16xi1>
      %or3A_429 = arith.ori %gt3A_425, %and3A_428 : vector<16xi1>
      %select_n3A_430 = arith.select %or3A_429, %get3A_411, %select_n3A_403 : vector<16xi1>, vector<16xf32>
      %select_n3A_431 = arith.select %or3A_429, %bitcast3A_418, %select_n3A_404 : vector<16xi1>, vector<16xi32>
      %select_n3A_432 = arith.select %or3A_429, %get3A_424, %select_n3A_405 : vector<16xi1>, vector<16xf32>
      %get3A_433 = arith.constant 13 : i32
      %get3A_434 = arith.constant 0 : i32
      %get3A_435 = arith.index_cast %get3A_433 : i32 to index
      %get3A_436 = arith.index_cast %get3A_434 : i32 to index
      %get3A_437 = arith.constant 0 : index
      %get3A_438 = tpu.vector_load %arg9[%get3A_435, %get3A_436, %get3A_437] {strides = array<i32>} : memref<16x1x48xf32, #tpu.memory_space<vmem>>, vector<16xf32>,
      %get3A_439 = arith.constant 13 : i32
      %get3A_440 = arith.constant 0 : i32
      %get3A_441 = arith.index_cast %get3A_439 : i32 to index
      %get3A_442 = arith.index_cast %get3A_440 : i32 to index
      %get3A_443 = arith.constant 16 : index
      %get3A_444 = tpu.vector_load %arg9[%get3A_441, %get3A_442, %get3A_443] {strides = array<i32>} : memref<16x1x48xf32, #tpu.memory_space<vmem>>, vector<16xf32>,
      %bitcast3A_445 = vector.bitcast %get3A_444 : vector<16xf32> to vector<16xi32>
      %get3A_446 = arith.constant 13 : i32
      %get3A_447 = arith.constant 0 : i32
      %get3A_448 = arith.index_cast %get3A_446 : i32 to index
      %get3A_449 = arith.index_cast %get3A_447 : i32 to index
      %get3A_450 = arith.constant 32 : index
      %get3A_451 = tpu.vector_load %arg9[%get3A_448, %get3A_449, %get3A_450] {strides = array<i32>} : memref<16x1x48xf32, #tpu.memory_space<vmem>>, vector<16xf32>,
      %gt3A_452 = arith.cmpf ogt, %get3A_438, %select_n3A_430 : vector<16xf32>
      %eq3A_453 = arith.cmpf oeq, %get3A_438, %select_n3A_430 : vector<16xf32>
      %lt3A_454 = arith.cmpi slt, %bitcast3A_445, %select_n3A_431 : vector<16xi32>
      %and3A_455 = arith.andi %eq3A_453, %lt3A_454 : vector<16xi1>
      %or3A_456 = arith.ori %gt3A_452, %and3A_455 : vector<16xi1>
      %select_n3A_457 = arith.select %or3A_456, %get3A_438, %select_n3A_430 : vector<16xi1>, vector<16xf32>
      %select_n3A_458 = arith.select %or3A_456, %bitcast3A_445, %select_n3A_431 : vector<16xi1>, vector<16xi32>
      %select_n3A_459 = arith.select %or3A_456, %get3A_451, %select_n3A_432 : vector<16xi1>, vector<16xf32>
      %get3A_460 = arith.constant 14 : i32
      %get3A_461 = arith.constant 0 : i32
      %get3A_462 = arith.index_cast %get3A_460 : i32 to index
      %get3A_463 = arith.index_cast %get3A_461 : i32 to index
      %get3A_464 = arith.constant 0 : index
      %get3A_465 = tpu.vector_load %arg9[%get3A_462, %get3A_463, %get3A_464] {strides = array<i32>} : memref<16x1x48xf32, #tpu.memory_space<vmem>>, vector<16xf32>,
      %get3A_466 = arith.constant 14 : i32
      %get3A_467 = arith.constant 0 : i32
      %get3A_468 = arith.index_cast %get3A_466 : i32 to index
      %get3A_469 = arith.index_cast %get3A_467 : i32 to index
      %get3A_470 = arith.constant 16 : index
      %get3A_471 = tpu.vector_load %arg9[%get3A_468, %get3A_469, %get3A_470] {strides = array<i32>} : memref<16x1x48xf32, #tpu.memory_space<vmem>>, vector<16xf32>,
      %bitcast3A_472 = vector.bitcast %get3A_471 : vector<16xf32> to vector<16xi32>
      %get3A_473 = arith.constant 14 : i32
      %get3A_474 = arith.constant 0 : i32
      %get3A_475 = arith.index_cast %get3A_473 : i32 to index
      %get3A_476 = arith.index_cast %get3A_474 : i32 to index
      %get3A_477 = arith.constant 32 : index
      %get3A_478 = tpu.vector_load %arg9[%get3A_475, %get3A_476, %get3A_477] {strides = array<i32>} : memref<16x1x48xf32, #tpu.memory_space<vmem>>, vector<16xf32>,
      %gt3A_479 = arith.cmpf ogt, %get3A_465, %select_n3A_457 : vector<16xf32>
      %eq3A_480 = arith.cmpf oeq, %get3A_465, %select_n3A_457 : vector<16xf32>
      %lt3A_481 = arith.cmpi slt, %bitcast3A_472, %select_n3A_458 : vector<16xi32>
      %and3A_482 = arith.andi %eq3A_480, %lt3A_481 : vector<16xi1>
      %or3A_483 = arith.ori %gt3A_479, %and3A_482 : vector<16xi1>
      %select_n3A_484 = arith.select %or3A_483, %get3A_465, %select_n3A_457 : vector<16xi1>, vector<16xf32>
      %select_n3A_485 = arith.select %or3A_483, %bitcast3A_472, %select_n3A_458 : vector<16xi1>, vector<16xi32>
      %select_n3A_486 = arith.select %or3A_483, %get3A_478, %select_n3A_459 : vector<16xi1>, vector<16xf32>
      %get3A_487 = arith.constant 15 : i32
      %get3A_488 = arith.constant 0 : i32
      %get3A_489 = arith.index_cast %get3A_487 : i32 to index
      %get3A_490 = arith.index_cast %get3A_488 : i32 to index
      %get3A_491 = arith.constant 0 : index
      %get3A_492 = tpu.vector_load %arg9[%get3A_489, %get3A_490, %get3A_491] {strides = array<i32>} : memref<16x1x48xf32, #tpu.memory_space<vmem>>, vector<16xf32>,
      %get3A_493 = arith.constant 15 : i32
      %get3A_494 = arith.constant 0 : i32
      %get3A_495 = arith.index_cast %get3A_493 : i32 to index
      %get3A_496 = arith.index_cast %get3A_494 : i32 to index
      %get3A_497 = arith.constant 16 : index
      %get3A_498 = tpu.vector_load %arg9[%get3A_495, %get3A_496, %get3A_497] {strides = array<i32>} : memref<16x1x48xf32, #tpu.memory_space<vmem>>, vector<16xf32>,
      %bitcast3A_499 = vector.bitcast %get3A_498 : vector<16xf32> to vector<16xi32>
      %get3A_500 = arith.constant 15 : i32
      %get3A_501 = arith.constant 0 : i32
      %get3A_502 = arith.index_cast %get3A_500 : i32 to index
      %get3A_503 = arith.index_cast %get3A_501 : i32 to index
      %get3A_504 = arith.constant 32 : index
      %get3A_505 = tpu.vector_load %arg9[%get3A_502, %get3A_503, %get3A_504] {strides = array<i32>} : memref<16x1x48xf32, #tpu.memory_space<vmem>>, vector<16xf32>,
      %gt3A_506 = arith.cmpf ogt, %get3A_492, %select_n3A_484 : vector<16xf32>
      %eq3A_507 = arith.cmpf oeq, %get3A_492, %select_n3A_484 : vector<16xf32>
      %lt3A_508 = arith.cmpi slt, %bitcast3A_499, %select_n3A_485 : vector<16xi32>
      %and3A_509 = arith.andi %eq3A_507, %lt3A_508 : vector<16xi1>
      %or3A_510 = arith.ori %gt3A_506, %and3A_509 : vector<16xi1>
      %select_n3A_511 = arith.select %or3A_510, %get3A_492, %select_n3A_484 : vector<16xi1>, vector<16xf32>
      %select_n3A_512 = arith.select %or3A_510, %bitcast3A_499, %select_n3A_485 : vector<16xi1>, vector<16xi32>
      %select_n3A_513 = arith.select %or3A_510, %get3A_505, %select_n3A_486 : vector<16xi1>, vector<16xf32>
      %eq3A_514 = arith.constant 0 : i32
      %eq3A_515 = arith.cmpi eq, %arg1, %eq3A_514 : i32
      %convert_element_type3A_516 = arith.extui %eq3A_515 : i1 to i32
      %cond3A_517 = arith.constant 0 : i32
      %cond3A_518 = arith.cmpi ne, %convert_element_type3A_516, %cond3A_517 : i32
      scf.if %cond3A_518 {
        %swap3A_528 = arith.constant 0 : i32
        %swap3A_529 = arith.index_cast %scan3A_30 : i32 to index
        %swap3A_530 = arith.index_cast %swap3A_528 : i32 to index
        %swap3A_531 = arith.constant 0 : index
        %swap3A_532 = tpu.vector_load %arg11[%swap3A_529, %swap3A_530, %swap3A_531] {strides = array<i32>} : memref<2048x1x16xf32, #tpu.memory_space<vmem>>, vector<16xf32>,
        tpu.vector_store %arg11[%swap3A_529, %swap3A_530, %swap3A_531], %select_n3A_513 {strides = array<i32>} : memref<2048x1x16xf32, #tpu.memory_space<vmem>>, vector<16xf32>,
      } else {
      }
      %slice3A_519 = vector.extract_strided_slice %select_n3A_513 {offsets = [0], sizes = [1], strides = [1]} : vector<16xf32> to vector<1xf32>
      %squeeze3A_520 = vector.extract %slice3A_519[0] : f32 from vector<1xf32>
      %broadcast_in_dim3A_521 = vector.broadcast %squeeze3A_520 : f32 to vector<16xf32>
      %slice3A_522 = vector.extract_strided_slice %select_n3A_513 {offsets = [1], sizes = [1], strides = [1]} : vector<16xf32> to vector<1xf32>
      %squeeze3A_523 = vector.extract %slice3A_522[0] : f32 from vector<1xf32>
      %broadcast_in_dim3A_524 = vector.broadcast %squeeze3A_523 : f32 to vector<16xf32>
      %slice3A_525 = vector.extract_strided_slice %select_n3A_513 {offsets = [2], sizes = [1], strides = [1]} : vector<16xf32> to vector<1xf32>
      %squeeze3A_526 = vector.extract %slice3A_525[0] : f32 from vector<1xf32>
      %broadcast_in_dim3A_527 = vector.broadcast %squeeze3A_526 : f32 to vector<16xf32>
      scf.yield %broadcast_in_dim3A_521, %broadcast_in_dim3A_524, %broadcast_in_dim3A_527 : vector<16xf32>, vector<16xf32>, vector<16xf32>
    }
    %scan3A_24 = arith.constant 2047 : i32
    %eq3A_25 = arith.constant 0 : i32
    %eq3A_26 = arith.cmpi eq, %arg1, %eq3A_25 : i32
    %convert_element_type3A_27 = arith.extui %eq3A_26 : i1 to i32
    %cond3A_28 = arith.constant 0 : i32
    %cond3A_29 = arith.cmpi ne, %convert_element_type3A_27, %cond3A_28 : i32
    scf.if %cond3A_29 {
      "tpu.region"() ({
        %run_scoped3A = tpu.sem_alloc : memref<!tpu.dma_semaphore, #tpu.memory_space<semaphore_mem>>
        tpu.enqueue_dma source(%arg11 : memref<2048x1x16xf32, #tpu.memory_space<vmem>>) target(%arg5 : memref<2048x1x16xf32, #tpu.memory_space<hbm>>) target_semaphore(%run_scoped3A : memref<!tpu.dma_semaphore, #tpu.memory_space<semaphore_mem>>)
        tpu.wait_dma2 semaphore(%run_scoped3A : memref<!tpu.dma_semaphore, #tpu.memory_space<semaphore_mem>>) src(%arg11 : memref<2048x1x16xf32, #tpu.memory_space<vmem>>) dst(%arg5 : memref<2048x1x16xf32, #tpu.memory_space<hbm>>)
        tpu.yield
      }) : () -> ()
    } else {
    }
    return
  }
}

</mosaic_0001>

<sc_bundles>
// kernel: kernel.3.cloned.1.call-start
scs
__scs_entry_jumppad:
0x0: {  	(pc) =	sbr.rel $0x88, $3  }
0x1: {  	(tag) =	ssettag $0x0;
	lr =	simm.s32 $0x1  }
0x2: {  	[smem:$0x3FA0] =	sst lr;
	_ =	strace $0xD0000000  }
0x3: {  	_ = 	snop  }
0x4: {  	_ = 	snop  }
0x5: {  	_ = 	snop  }
0x6: {  	_ = 	snop  }
0x7: {  	_ = 	snop  }
__scs_overlays_trampoline_lowered:
0x8: {  	[smem:$0x3FAF] =	sst s0  }
0x9: {  	[smem:$0x3FB0] =	sst s1  }
0xa: {  	[smem:$0x3FB1] =	sst s2  }
0xb: {  	[smem:$0x3FB2] =	sst s3  }
0xc: {  	[smem:$0x3FB3] =	sst s4  }
0xd: {  	[smem:$0x3FB4] =	sst s5  }
0xe: {  	[smem:$0x3FB5] =	sst s6  }
0xf: {  	[smem:$0x3FB6] =	sst s7  }
0x10: {  	[smem:$0x3FB7] =	sst s8  }
0x11: {  	[smem:$0x3FB8] =	sst s9;
	s0 =	simm.s32 @!p0 $0x0  }
0x12: {  	s1 =	sld [smem:$0x3F9E];
	s0 =	simm.s32 @p0 $0x1  }
0x13: {  	[smem:$0x3FB9] =	sst s0;
	s0 =	simm.s32 @!p1 $0x0  }
0x14: {  	s2 =	sld [smem:$0x3F9D];
	s0 =	simm.s32 @p1 $0x1  }
0x15: {  	[smem:$0x3FBA] =	sst s0;
	s0 =	simm.s32 @!p2 $0x0  }
0x16: {  	s3 =	sld [smem:$0x3FDB];
	s0 =	simm.s32 @p2 $0x1  }
0x17: {  	s4 =	simm.s32 $0x1BF5;
	[smem:$0x3FBC] =	sst s0  }
0x18: {  	s0 =	sld [smem:$0x3F9F];
	_ =	swait.ge [sflag:s4], $0x0  }
0x19: {  	s7 =	sld [smem:$0x3FA0]  }
0x1a: {  	s8 =	sadd.s32 $0xFFFFE003, lr  }
0x1b: {  	s9 =	sadd.s32 $0xFFFFFEF7, lr;
	s5 =	simm.s32 $0xFFFFFFFF;
	p2 =	slt.u32 s8, $0xFFFFF086  }
0x1c: {  	p1 =	slt.u32 s9, $0xF7A;
	s5 =	simm.s32 @!p2 $0x0  }
0x1d: {  	s5 =	simm.s32 @p1 $0x1;
	p0 =	seq.s32 s7, s2  }
0x1e: {  	s7 =	smul.u32 @!p0 $0xF7A, s2;
	p2 =	seq.s32 @!p0 s5, $0x0  }
0x1f: {  	s9 =	smul.u32 $0xF7A, s1;
	s8 =	simm.s32 @!p0 $0x1BF5;
	p2 =	por !p2, p0  }
0x20: {  	[sflag:s8] =	ssyncset.s32 @!p0 $0xFFFFF086;
	s6 =	sadd.s32 @!p0 s3, s7;
	s7 =	simm.s32 @!p0 $0x108  }
0x21: {  	s3 =	sadd.s32 s3, s9;
	s6 =	sadd.s32 @!p0 $0x88, s6;
	s7 =	simm.s32 @p2 $0x1082  }
0x22: {  	[simem:s7], [sflag:s8] =	dma.local @!p0 [hbm:s6], $0xF7A  }
0x23: {  	s9 =	sor.u32 $0xD0000000, s2;
	s6 =	simm.s32 $0x108;
	_ =	swait.ge @!p0 [sflag:s8], $0x0  }
0x24: {  	s3 =	sadd.s32 $0x88, s3;
	s6 =	simm.s32 @!p1 $0x1082;
	[sflag:s4] =	ssyncset.s32 $0xFFFFF086  }
0x25: {  	[simem:s6], [sflag:s4] =	dma.local [hbm:s3], $0xF7A  }
0x26: {  	[smem:$0x3FA0] =	sst s1;
	(tag) =	ssettag s2;
	_ =	strace s9  }
0x27: {  	s1 =	sld [smem:$0x3FB0]  }
0x28: {  	s2 =	sld [smem:$0x3FB1]  }
0x29: {  	s4 =	sld [smem:$0x3FB3]  }
0x2a: {  	p0 =	seq.s32 s5, $0x0;
	s5 =	sld [smem:$0x3FB4]  }
0x2b: {  	s6 =	sld [smem:$0x3FB5]  }
0x2c: {  	s7 =	sld [smem:$0x3FB6]  }
0x2d: {  	s3 =	simm.s32 $0x108;
	s8 =	sld [smem:$0x3FB7]  }
0x2e: {  	s3 =	simm.s32 @!p0 $0x1082;
	s9 =	sld [smem:$0x3FB8]  }
0x2f: {  	lr =	sadd.s32 s0, s3;
	s0 =	sld [smem:$0x3FAF]  }
0x30: {  	s3 =	sld [smem:$0x3FB2]  }
0x31: {  	[smem:$0x3FBB] =	sst s10  }
0x32: {  	s10 =	sld [smem:$0x3FB9];
	_ =	sdelay $0x3  }
0x33: {  	p0 =	seq.s32 s10, $0x1;
	s10 =	sld [smem:$0x3FBB];
	_ =	sdelay $0x3  }
0x34: {  	[smem:$0x3FBB] =	sst s10  }
0x35: {  	s10 =	sld [smem:$0x3FBA];
	_ =	sdelay $0x3  }
0x36: {  	p1 =	seq.s32 s10, $0x1;
	s10 =	sld [smem:$0x3FBB];
	_ =	sdelay $0x3  }
0x37: {  	[smem:$0x3FBB] =	sst s10  }
0x38: {  	s10 =	sld [smem:$0x3FBC]  }
0x39: {  	_ = 	snop;
	(pc) =	sbr.ind lr, $3  }
0x3a: {  	_ = 	snop  }
0x3b: {  	_ = 	snop  }
0x3c: {  	p2 =	seq.s32 s10, $0x1;
	s10 =	sld [smem:$0x3FBB]  }
0x3d: {  	_ =	shalt  }
0x3e: {  	_ =	shalt  }
0x3f: {  	_ =	shalt  }
0x40: {  	_ =	shalt  }
0x41: {  	_ =	shalt  }
0x42: {  	_ =	shalt  }
0x43: {  	_ =	shalt  }
0x44: {  	_ =	shalt  }
0x45: {  	_ =	shalt  }
0x46: {  	_ =	shalt  }
0x47: {  	_ =	shalt  }
0x48: {  	_ =	shalt  }
0x49: {  	_ =	shalt  }
0x4a: {  	_ =	shalt  }
0x4b: {  	_ =	shalt  }
0x4c: {  	_ =	shalt  }
0x4d: {  	_ =	shalt  }
0x4e: {  	_ =	shalt  }
0x4f: {  	_ =	shalt  }
0x50: {  	_ =	shalt  }
0x51: {  	_ =	shalt  }
0x52: {  	_ =	shalt  }
0x53: {  	_ =	shalt  }
0x54: {  	_ =	shalt  }
0x55: {  	_ =	shalt  }
0x56: {  	_ =	shalt  }
0x57: {  	_ =	shalt  }
0x58: {  	_ =	shalt  }
0x59: {  	_ =	shalt  }
0x5a: {  	_ =	shalt  }
0x5b: {  	_ =	shalt  }
0x5c: {  	_ =	shalt  }
0x5d: {  	_ =	shalt  }
0x5e: {  	_ =	shalt  }
0x5f: {  	_ =	shalt  }
0x60: {  	_ =	shalt  }
0x61: {  	_ =	shalt  }
0x62: {  	_ =	shalt  }
0x63: {  	_ =	shalt  }
0x64: {  	_ =	shalt  }
0x65: {  	_ =	shalt  }
0x66: {  	_ =	shalt  }
0x67: {  	_ =	shalt  }
0x68: {  	_ =	shalt  }
0x69: {  	_ =	shalt  }
0x6a: {  	_ =	shalt  }
0x6b: {  	_ =	shalt  }
0x6c: {  	_ =	shalt  }
0x6d: {  	_ =	shalt  }
0x6e: {  	_ =	shalt  }
0x6f: {  	_ =	shalt  }
0x70: {  	_ =	shalt  }
0x71: {  	_ =	shalt  }
0x72: {  	_ =	shalt  }
0x73: {  	_ =	shalt  }
0x74: {  	_ =	shalt  }
0x75: {  	_ =	shalt  }
0x76: {  	_ =	shalt  }
0x77: {  	_ =	shalt  }
0x78: {  	_ =	shalt  }
0x79: {  	_ =	shalt  }
0x7a: {  	_ =	shalt  }
0x7b: {  	_ =	shalt  }
0x7c: {  	_ =	shalt  }
0x7d: {  	_ =	shalt  }
0x7e: {  	_ =	shalt  }
0x7f: {  	_ =	shalt  }
0x80: {  	_ =	shalt  }
0x81: {  	_ =	shalt  }
0x82: {  	_ =	shalt  }
0x83: {  	_ =	shalt  }
0x84: {  	_ =	shalt  }
0x85: {  	_ =	shalt  }
0x86: {  	_ =	shalt  }
0x87: {  	_ =	shalt  }
.Lfunc_end0:
.L_simem_size_0:
called_computation_lowered:
.L_overlay_start_0:
0x88: {  	s0 =	sld [smem:$0x3FD9]  }
0x89: {  	s1 =	sld [smem:$0x3FFE];
	_ =	sdelay $0x3  }
0x8a: {  	s0 =	sadd.s32 s1, s0  }
0x8b: {  	[smem:$0x3FC7] =	sst s0  }
0x8c: {  	_ = 	snop  }
0x8d: {  	s0 =	sld [smem:$0x3FD0];
	(tm) =	ssettm $0x1  }
0x8e: {  	s16 =	sld [smem:$0x3FFB];
	_ =	sdelay $0x3  }
0x8f: {  	_ =	strace s16  }
0x90: {  	s1 =	sld [smem:$0x3FFC];
	_ =	sdelay $0x3  }
0x91: {  	_ =	strace s1  }
0x92: {  	s1 =	sld [smem:$0x3FFD];
	_ =	sdelay $0x3  }
0x93: {  	_ =	strace s1  }
0x94: {  	_ =	strace $0x8FFFFFFF  }
0x95: {  	s17 =	sld [smem:$0x3FDB];
	_ =	sdelay $0x1  }
0x96: {  	s2 =	simm.s32 $_scs_section_size  }
0x97: {  	s3 =	simm.s32 $_size__tile_overlayer_lowered;
	s4 =	simm.s32 $_tile_overlayer_lowered  }
0x98: {  	s20 =	simm.s32 $0x1BFF;
	s19 =	sshll.u32 s4, $0x1;
	s1 =	sadd.s32 s2, s17  }
0x99: {  	s5 =	simm.s32 $0x0;
	s18 =	sshll.u32 s3, $0x1;
	s3 =	sadd.s32 s19, s1  }
0x9a: {  	[timem:s5], [sflag:s20] =	dma.local [hbm:s3], s18  }
0x9b: {  	_ =	swait.ge [sflag:s20], s18  }
0x9c: {  	s2 =	ssub.s32 $0x0, s18;
	[sflag:s20] =	ssyncset.done $0x0  }
0x9d: {  	[sflag:s20] =	ssyncadd.s32 s2;
	_ =	sdelay $0x1  }
0x9e: {  	s21 =	simm.s32 $0x1B8B  }
0x9f: {  	_ =	swait.ge [sflag:s21], $0x1  }
0xa0: {  	[sflag:s21] =	ssyncset.done $0x0  }
0xa1: {  	s23 =	simm.s32 $0x1B8E;
	s22 =	sld [smem:$0x3FFE];
	[sflag:s21] =	ssyncadd.s32 $0xFFFFFFFF  }
0xa2: {  	s24 =	simm.s32 $execute0_lowered;
	[smem:$0x3FD2] =	sst s23  }
0xa3: {  	s3 =	sshll.u32 s24, $0x1;
	_ =	strace $0x80000046;
	[dreg:$0x1] =	wrdreg $0xFFFFFFFF  }
0xa4: {  	s25 =	simm.s32 $_size_execute0_lowered;
	s1 =	sadd.s32 s1, s3;
	[dreg:$0x0] =	wrdreg $0x0  }
0xa5: {  	s3 =	sshll.u32 s25, $0x1;
	[dreg:$0x2] =	wrdreg s1  }
0xa6: {  	[dreg:$0x3] =	wrdreg s3  }
0xa7: {  	[dreg:$0x4] =	wrdreg $0xC0  }
0xa8: {  	_ =	task [dreg:s5], $0x5FFFF  }
0xa9: {  	[dreg:$0x1] =	wrdreg $0xFFFFFFFF  }
0xaa: {  	[dreg:$0x0] =	wrdreg $0x60  }
0xab: {  	[dreg:$0x2] =	wrdreg s22  }
0xac: {  	[dreg:$0x3] =	wrdreg s0  }
0xad: {  	[dreg:$0x4] =	wrdreg $0xB4700  }
0xae: {  	[dreg:$0x5] =	wrdreg $0x9  }
0xaf: {  	_ =	task.clear_ibuf [dreg:s5], $0x6FFFF;
	_ =	strace $0x90000046  }
0xb0: {  	s26 =	simm.s32 $0x9;
	_ =	strace $0x80000048  }
0xb1: {  	_ =	swait.ge [sflag:s26], $0x1  }
0xb2: {  	[sflag:s26] =	ssyncadd.s32 $0xFFFFFFFF  }
0xb3: {  	_ =	strace $0x90000048  }
0xb4: {  	_ =	sfence  }
0xb5: {  	s28 =	sld [smem:$0x0];
	_ =	sdelay $0x1  }
0xb6: {  	s29 =	srdreg.scid  }
0xb7: {  	s30 =	sshll.u32 s29, $0xD;
	s31 =	sshrl.u32 s29, $0x2  }
0xb8: {  	s2 =	sand.u32 $0x4000, s30;
	s1 =	sand.u32 $0x1, s29;
	s0 =	sadd.s32 s31, s28  }
0xb9: {  	s1 =	sor.u32 s2, s1;
	s0 =	sshll.u32 s0, $0x11  }
0xba: {  	s0 =	sor.u32 s0, s1  }
0xbb: {  	s0 =	sadd.s32 $0x8F2B, s0  }
0xbc: {  	[sflag:s0] =	ssyncadd.remote.s32 $0x1  }
0xbd: {  	_ =	sfence.sel $0xFFFF  }
0xbe: {  	[dreg:$0x0] =	wrdreg $0xFFFFFFFF;
	(pc) =	sbr.abs _section_cstart, $3  }
0xbf: {  	[dreg:$0x1] =	wrdreg $0xFFFFFFFF  }
0xc0: {  	_ =	task.clear_ibuf [dreg:s5], $0x2FFFF;
	_ =	strace $0x9FFFFFFF  }
0xc1: {  	(tm) =	ssettm $0x7FFFFFFF  }
tec
execute0_lowered:
.L_overlay_start_1:
0x0: {  	(tag) =	ssettag $0x1  }
0x1: {  	s5 =	rddreg [dreg:$0x0]  }
0x2: {  	s6 =	rddreg [dreg:$0x1]  }
0x3: {  	s1 =	rddreg [dreg:$0x2];
	s2 =	stileid.u32  }
0x4: {  	s0 =	rddreg [dreg:$0x3];
	s7 =	simm.s32 $0x0;
	s4 =	smul.u32 $0x49E, s2  }
0x5: {  	[smem:$0x7FF] =	sst s7  }
0x6: {  	s3 =	smul.u32 $0xC40, s2;
	_ =	strace $0x80000047;
	s4 =	sadd.s32 s5, s4  }
0x7: {  	[tilespmem:s7], [sflag:$0x1] =	stream.linear.gather [hbm4b:s4+s7], $0x24F0, $0x38;
	[tilespmem:$0xB4D0] =	vst v63  }
0x8: {  	s4 =	simm.s32 $0x1  }
0x9: {  	s8 =	sshrl.u32 s3, $0x3;
	_ =	swait.ge [sflag:s4], $0x24F0  }
0xa: {  	s8 =	sadd.s32 s8, s5;
	[sflag:s4] =	ssyncset.done $0x0  }
0xb: {  	s9 =	simm.s32 $0x24F0;
	s8 =	sadd.s32 $0x4A00, s8;
	[sflag:s4] =	ssyncadd.s32 $0xFFFFDB10  }
0xc: {  	[tilespmem:s9], [sflag:$0x1] =	stream.linear.gather [hbm4b:s8+s7], $0xC40, $0x38;
	[tilespmem:$0xB4D0] =	vst v63  }
0xd: {  	_ =	swait.ge [sflag:s4], $0xC40  }
0xe: {  	[sflag:s4] =	ssyncset.done $0x0  }
0xf: {  	s31 =	simm.s32 $0x3130;
	[sflag:s4] =	ssyncadd.s32 $0xFFFFF3C0  }
0x10: {  	[tilespmem:s31], [sflag:$0x1] =	stream.linear.gather [hbm4b:s6+s7], $0x10, $0x38;
	[tilespmem:$0xB4D0] =	vst v63  }
0x11: {  	_ =	swait.ge [sflag:s4], $0x10  }
0x12: {  	[sflag:s4] =	ssyncset.done $0x0  }
0x13: {  	[sflag:s4] =	ssyncadd.s32 $0xFFFFFFF0  }
0x14: {  	v0 =	vld [tilespmem:$0x3130];
	_ =	sdelay $0x1  }
.Ltmp0:
0x15: {  	_ = 	snop;
	(pc) =	sbr.rel .LBB2_1-.Ltmp0, $3  }
0x16: {  	_ =	sdelay $0x1  }
0x17: {  	vm0 =	vcmask $0x3F08;
	vm1 =	vmmov $0x1;
	p0 =	sne.s32 s2, $0x0;
	s5 =	sadd.s32 $0x6400, s5;
	v1 =	vbroadcast v0, $0x0  }
0x18: {  	s8 =	simm.s32 $0x1;
	s6 =	simm.s32 $0x3440;
	s7 =	simm.s32 $0x3140;
	v2 =	vbroadcast v0, $0x1;
	v3 =	vbroadcast v0, $0x2;
	[tilespmem:$0x3470] =	vst @!p0 v0;
	v0 =	vlaneseq.u32  }
.LBB2_4:
0x19: {  	p1 =	seq.s32 s8, $0x800  }
.Ltmp1:
0x1a: {  	_ = 	snop;
	(pc) =	sbr.rel @p1 .LBB2_5-.Ltmp1, $3  }
0x1b: {  	_ =	sdelay $0x1  }
0x1c: {  	s9 =	sand.u32 $0x3FFFFFF0, s9  }
0x1d: {  	[tilespmem:s9+$0x3470] =	vst v4  }
.LBB2_1:
0x1e: {  	s9 =	simm.s32 $0xC70  }
0x1f: {  	v4 =	vld [tilespmem:s9+$0xFFFFF390]  }
0x20: {  	v5 =	vld [tilespmem:s9+$0x10]  }
0x21: {  	v6 =	vld [tilespmem:s9+$0xC60]  }
0x22: {  	v7 =	vld [tilespmem:s9+$0x0]  }
0x23: {  	v8 =	vld [tilespmem:s9+$0xFFFFF3C0]  }
0x24: {  	v9 =	vld [tilespmem:s9+$0xFFFFFFE0]  }
0x25: {  	v10 =	vld [tilespmem:s9+$0xFFFFFFF0]  }
0x26: {  	v11 =	vld [tilespmem:s9+$0xC40]  }
0x27: {  	v12 =	vld [tilespmem:s9+$0xFFFFF3A0]  }
0x28: {  	v13 =	vld [tilespmem:s9+$0xC30]  }
0x29: {  	v22 =	vimm.f32 $-Inf;
	v30 =	vimm.s32 $0x0;
	v15 =	vld [tilespmem:s9+$0xC50];
	v14 =	vsub.f32 v4, v1  }
0x2a: {  	s11 =	sadd.s32 $0x10, s3;
	s10 =	simm.s32 $0x2510;
	v31 =	vor.u32 s3, v0;
	v16 =	vld [tilespmem:s9+$0xFFFFF3B0];
	v6 =	vsub.f32 v6, v3;
	v5 =	vsub.f32 v5, v2  }
0x2b: {  	s30 =	simm.s32 $0xCB0;
	v17 =	vld [tilespmem:s10+$0xFFFFFFF0];
	v4 =	vor.u32 s11, v0;
	v7 =	vsub.f32 v7, v2;
	v9 =	vsub.f32 v9, v2  }
0x2c: {  	v20 =	vld [tilespmem:s30+$0xFFFFF390];
	v18 =	vmul.f32 v5, v5;
	v5 =	vsub.f32 v11, v3;
	v11 =	vsub.f32 v12, v1  }
0x2d: {  	v21 =	vld [tilespmem:s30+$0x10];
	v10 =	vsub.f32 v10, v2;
	v19 =	vmul.f32 v6, v6;
	v6 =	vsub.f32 v13, v3  }
0x2e: {  	v27 =	vld [tilespmem:s30+$0xFFFFF3A0];
	v8 =	vsub.f32 v8, v1;
	v5 =	vmul.f32 v5, v5;
	v11 =	vmul.f32 v11, v11  }
0x2f: {  	v24 =	vld [tilespmem:s30+$0xFFFFFFF0];
	v15 =	vsub.f32 v15, v3;
	v14 =	vmul.f32 v14, v14;
	v6 =	vmul.f32 v6, v6  }
0x30: {  	v16 =	vsub.f32 v16, v1;
	v10 =	vmul.f32 v10, v10;
	v5 =	vadd.f32 v5, v11;
	v11 =	vld [tilespmem:s30+$0xC60]  }
0x31: {  	v20 =	vsub.f32 v20, v1;
	v12 =	vld [tilespmem:s10+$0xFFFFFFE0];
	v9 =	vmul.f32 v9, v9;
	v6 =	vadd.f32 v6, v14  }
0x32: {  	s9 =	sadd.s32 $0x40, s3;
	v14 =	vmul.f32 v15, v15;
	v15 =	vld [tilespmem:s30+$0x0];
	v23 =	vadd.f32 v5, v10;
	v10 =	vmul.f32 v16, v16  }
0x33: {  	s12 =	sadd.s32 $0x10, s9;
	v33 =	vsub.f32 v27, v1;
	v7 =	vmul.f32 v7, v7;
	v8 =	vmul.f32 v8, v8;
	v16 =	vld [tilespmem:s30+$0xFFFFFFE0]  }
0x34: {  	s31 =	sadd.s32 $0x20, s3;
	v25 =	vld [tilespmem:s30+$0xC40];
	v5 =	vor.u32 s12, v0;
	v9 =	vadd.f32 v6, v9;
	v14 =	vadd.f32 v14, v10  }
0x35: {  	v26 =	vld [tilespmem:s30+$0xC30];
	v6 =	vor.u32 s31, v0;
	v10 =	vmul.f32 v20, v20;
	v20 =	vsub.f32 v11, v3  }
0x36: {  	v28 =	vld [tilespmem:s10+$0x10];
	v12 =	vmin.f32 v12, v9;
	v11 =	vsub.f32 v21, v2;
	v21 =	vadd.f32 v14, v7  }
0x37: {  	v13 =	vld [tilespmem:s10+$0x0];
	vm2 =	vgt.f32 v12, v22;
	v14 =	vsub.f32 v15, v2;
	v15 =	vsub.f32 v24, v2  }
0x38: {  	v29 =	vld [tilespmem:s30+$0xFFFFF3C0];
	v16 =	vsub.f32 v16, v2;
	v7 =	vmul.f32 v11, v11;
	v11 =	vmin.f32 v17, v23  }
0x39: {  	v32 =	vld [tilespmem:s30+$0xC50];
	v17 =	vadd.f32 v19, v8;
	v23 =	vsub.f32 v25, v3;
	v8 =	vmul.f32 v20, v20  }
0x3a: {  	s12 =	simm.s32 $0x2550;
	v24 =	vld [tilespmem:s30+$0xFFFFF3B0];
	v25 =	vsub.f32 v26, v3;
	v9 =	vmul.f32 v14, v14;
	v14 =	vmax.f32 v22, v12  }
0x3b: {  	[tilespmem:s10+$0xFFFFFFE0] =	vst v12;
	v20 =	vld [tilespmem:s12+$0x10];
	v19 =	vmul.f32 v15, v15;
	v22 =	vsel vm2, v31, v30;
	v18 =	vadd.f32 v17, v18  }
0x3c: {  	[tilespmem:s10+$0xFFFFFFF0] =	vst v11;
	v12 =	vld [tilespmem:s12+$0x0];
	v15 =	vmax.f32 v14, v11;
	v17 =	vmin.f32 v13, v21;
	v26 =	vmul.f32 v23, v23  }
0x3d: {  	s14 =	simm.s32 $0x4;
	s15 =	simm.s32 $0xCF0;
	v13 =	vld [tilespmem:s12+$0xFFFFFFF0];
	v27 =	vmul.f32 v25, v25;
	v25 =	vsub.f32 v29, v1;
	[tilespmem:s10+$0x0] =	vst v17;
	v23 =	vmin.f32 v28, v18  }
0x3e: {  	s13 =	smov.u32 s3;
	s11 =	smov.u32 s9;
	v29 =	vmul.f32 v33, v33;
	v21 =	vmax.f32 v15, v17;
	v18 =	vld [tilespmem:s12+$0xFFFFFFE0];
	v28 =	vsub.f32 v32, v3;
	[tilespmem:s10+$0x10] =	vst v23;
	s10 =	simm.s32 $0x2550  }
.LBB2_2:
0x3f: {  	v30 =	vld [tilespmem:s15+$0xFFFFF390];
	s14 =	sadd.s32 $0x4, s14;
	v24 =	vsub.f32 v24, v1;
	vm2 =	vgt.f32 v23, v21;
	v31 =	vmax.f32 v21, v23  }
0x40: {  	v21 =	vld [tilespmem:s15+$0x10];
	p1 =	slt.u32 s14, $0xC0;
	v23 =	vadd.f32 v26, v29;
	v29 =	vmov v20  }
0x41: {  	v10 =	vadd.f32 v27, v10;
	v16 =	vmul.f32 v16, v16;
	s9 =	sadd.s32 $0x40, s9;
	v26 =	vmul.f32 v28, v28;
	v20 =	vld [tilespmem:s15+$0xC60]  }
0x42: {  	vm3 =	vgt.f32 v11, v14;
	s16 =	sadd.s32 $0x10, s9;
	v27 =	vld [tilespmem:s15+$0x0];
	v19 =	vadd.f32 v23, v19;
	v23 =	vmul.f32 v24, v24  }
0x43: {  	v11 =	vor.u32 s16, v0;
	v14 =	vadd.f32 v10, v16;
	v24 =	vmul.f32 v25, v25;
	v28 =	vld [tilespmem:s15+$0xFFFFF3C0]  }
0x44: {  	v22 =	vsel vm3, v4, v22;
	vm3 =	vgt.f32 v17, v15;
	v4 =	vmovc v5;
	s16 =	sadd.s32 $0x20, s11;
	v10 =	vsub.f32 v30, v1;
	v16 =	vld [tilespmem:s15+$0xFFFFFFE0]  }
0x45: {  	v5 =	vmovc v11;
	v30 =	vor.u32 s11, v0;
	v17 =	vadd.f32 v26, v23;
	v23 =	vor.u32 s16, v0;
	s16 =	sadd.s32 $0x30, s13;
	s13 =	smov.u32 s11;
	s11 =	smov.u32 s9;
	v15 =	vld [tilespmem:s15+$0xFFFFFFF0]  }
0x46: {  	s12 =	sadd.s32 $0x40, s12;
	v11 =	vor.u32 s16, v0;
	v10 =	vmul.f32 v10, v10;
	v25 =	vld [tilespmem:s15+$0xC40];
	v20 =	vsub.f32 v20, v3  }
0x47: {  	v21 =	vsub.f32 v21, v2;
	v17 =	vadd.f32 v17, v9;
	v9 =	vsel vm3, v6, v22;
	v6 =	vmovc v23;
	v26 =	vld [tilespmem:s15+$0xC30]  }
0x48: {  	v32 =	vmin.f32 v18, v14;
	v23 =	vsub.f32 v27, v2;
	v33 =	vsel vm2, v11, v9;
	v22 =	vld [tilespmem:s15+$0xFFFFF3A0]  }
0x49: {  	v18 =	vmul.f32 v21, v21;
	v11 =	vmin.f32 v13, v19;
	v16 =	vsub.f32 v16, v2;
	v34 =	vld [tilespmem:s15+$0xC50];
	[tilespmem:s10+$0xFFFFFFE0] =	vst v32  }
0x4a: {  	v9 =	vmul.f32 v23, v23;
	v13 =	vsub.f32 v15, v2;
	[tilespmem:s10+$0xFFFFFFF0] =	vst v11;
	v15 =	vadd.f32 v8, v24  }
0x4b: {  	v14 =	vmax.f32 v31, v32;
	v8 =	vmul.f32 v20, v20;
	v21 =	vsub.f32 v25, v3  }
.Ltmp2:
0x4c: {  	v25 =	vsub.f32 v26, v3;
	v19 =	vmul.f32 v13, v13;
	v24 =	vld [tilespmem:s15+$0xFFFFF3B0];
	v23 =	vadd.f32 v15, v7;
	v7 =	vmovc v18;
	(pc) =	sbr.rel @p1 .LBB2_2-.Ltmp2, $4  }
0x4d: {  	v17 =	vmin.f32 v12, v17;
	v15 =	vmax.f32 v14, v11;
	v22 =	vsub.f32 v22, v1;
	v20 =	vld [tilespmem:s12+$0x10]  }
0x4e: {  	v26 =	vmul.f32 v21, v21;
	v21 =	vmax.f32 v15, v17;
	v13 =	vld [tilespmem:s12+$0xFFFFFFF0];
	[tilespmem:s10+$0x0] =	vst v17;
	v23 =	vmin.f32 v29, v23  }
0x4f: {  	vm2 =	vgt.f32 v32, v31;
	v27 =	vmul.f32 v25, v25;
	v25 =	vsub.f32 v28, v1;
	v18 =	vld [tilespmem:s12+$0xFFFFFFE0]  }
0x50: {  	s15 =	sadd.s32 $0x40, s15;
	v28 =	vsub.f32 v34, v3;
	v29 =	vmul.f32 v22, v22;
	v22 =	vsel vm2, v30, v33;
	v12 =	vld [tilespmem:s12+$0x0];
	[tilespmem:s10+$0x10] =	vst v23;
	s10 =	smov.u32 s12  }
0x51: {  	_ = 	snop  }
0x52: {  	v1 =	vsub.f32 v24, v1  }
0x53: {  	v2 =	vmul.f32 v16, v16  }
0x54: {  	v3 =	vadd.f32 v27, v10;
	v38 =	vmul.f32 v28, v28;
	v1 =	vmul.f32 v1, v1  }
0x55: {  	v40 =	vmul.f32 v25, v25;
	v39 =	vadd.f32 v26, v29  }
0x56: {  	v2 =	vadd.f32 v3, v2;
	v1 =	vadd.f32 v38, v1  }
0x57: {  	v8 =	vadd.f32 v8, v40;
	v3 =	vadd.f32 v39, v19  }
0x58: {  	v41 =	vmax.f32 v21, v23;
	v2 =	vmin.f32 v18, v2;
	v1 =	vadd.f32 v1, v9  }
0x59: {  	v7 =	vadd.f32 v8, v7;
	v3 =	vmin.f32 v13, v3;
	v42 =	vmax.f32 v41, v2  }
0x5a: {  	v43 =	vmax.f32 v42, v3;
	v1 =	vmin.f32 v12, v1  }
0x5b: {  	v7 =	vmin.f32 v20, v7;
	v12 =	vmax.f32 v43, v1  }
0x5c: {  	v44 =	vmax.f32 v12, v7  }
0x5d: {  	(xrf0) =	vmax.scan.msk.f32 $0xffff, v44  }
0x5e: {  	vm2 =	vgt.f32 v11, v14  }
0x5f: {  	s9 =	sadd.s32 $0x30, s13;
	v4 =	vsel vm2, v4, v22;
	vm2 =	vgt.f32 v17, v15  }
0x60: {  	vm3 =	vgt.f32 v23, v21;
	v45 =	vor.u32 s9, v0;
	v4 =	vsel vm2, v6, v4  }
0x61: {  	s25 =	sadd.s32 $0x20, s11;
	v6 =	vor.u32 s11, v0;
	v4 =	vsel vm3, v45, v4;
	vm2 =	vgt.f32 v2, v41  }
0x62: {  	s26 =	sadd.s32 $0x30, s11;
	v46 =	vor.u32 s25, v0;
	v4 =	vsel vm2, v6, v4;
	vm2 =	vgt.f32 v3, v42  }
0x63: {  	v6 =	vor.u32 s26, v0;
	v4 =	vsel vm2, v5, v4;
	vm2 =	vgt.f32 v1, v43;
	v5, _, _ =	vpop (xrf0)  }
0x64: {  	vm3 =	vgt.f32 v7, v12;
	v4 =	vsel vm2, v46, v4;
	v5 =	vbroadcast v5, $0xF  }
0x65: {  	v4 =	vsel vm3, v6, v4  }
0x66: {  	v4 =	vxor.u32 $0x80000000, v4;
	vm2 =	veq.f32 v44, v5  }
0x67: {  	v4 =	vnsel vm2, $0xFFFFFFFF, v4  }
0x68: {  	(xrf0) =	vmin.scan.msk.u32 $0xffff, v4;
	_ =	sdelay $0x5  }
0x69: {  	v4, _, _ =	vpop (xrf0)  }
0x6a: {  	(v2sf) =	vpush v4, $0xF;
	_ =	sdelay $0xe  }
0x6b: {  	s28 =	spop (v2sf)  }
0x6c: {  	[tilespmem:s10+$0xFFFFFFE0] =	vst v2;
	s29 =	sxor.u32 $0x80000000, s28  }
0x6d: {  	[tilespmem:s10+$0xFFFFFFF0] =	vst v3;
	s12 =	ssub.s32 s29, s3  }
0x6e: {  	[tilespmem:s10+$0x10] =	vst v7;
	s9 =	sand.u32 $0x7, s28;
	s12 =	sand.u32 $0xFFFFFFF8, s12  }
0x6f: {  	[tilespmem:s10+$0x0] =	vst v1;
	s9 =	sor.u32 s9, s12  }
0x70: {  	v1 =	vld.msk [tilespmem:s9+$0xC50 ss:$0x0], $0xffff  }
0x71: {  	v2 =	vld.msk [tilespmem:s9+$0x18A0 ss:$0x0], $0xffff  }
0x72: {  	v3 =	vld [tilespmem:s9+$0x0];
	s9 =	sshll.u32 s8, $0x4  }
0x73: {  	s30 =	sand.u32 $0x10, s9  }
0x74: {  	v4 =	vmov s29;
	s31 =	sor.u32 s2, s30  }
0x75: {  	v4 =	vbroadcast v4, $0x0;
	s11 =	smul.u32 $0xC0, s31  }
0x76: {  	[tilespmem:$0x3440] =	vst v5;
	v1 =	vsel vm0, v2, v1  }
0x77: {  	[tilespmem:$0x3450] =	vst v4;
	s11 =	sshrl.u32 s11, $0x2;
	v1 =	vsel vm1, v3, v1  }
0x78: {  	s11 =	sadd.s32 s11, s1;
	[tilespmem:$0x3460] =	vst v1  }
0x79: {  	[spmem:s11] =	stream.linear.scatter [tilespmem:s6], [sflag:$0x1], $0x30, $0x38;
	[tilespmem:$0xB4D0] =	vst v63  }
0x7a: {  	s10 =	smul.u32 $0xC0, s30;
	_ =	swait.ge [sflag:s4], $0x30  }
0x7b: {  	[sflag:s4] =	ssyncset.done $0x0  }
0x7c: {  	s10 =	sshrl.u32 s10, $0x2;
	[sflag:s4] =	ssyncadd.s32 $0xFFFFFFD0  }
0x7d: {  	s10 =	sadd.s32 s10, s1;
	[bflag:$0x0] =	sbarrier.arrive $0xFFFF  }
0x7e: {  	[tilespmem:s7], [sflag:$0x1] =	stream.linear.gather [spmem:s10], $0x300, $0x38;
	[tilespmem:$0xB4D0] =	vst v63  }
0x7f: {  	_ =	swait.ge [sflag:s4], $0x300  }
0x80: {  	[sflag:s4] =	ssyncset.done $0x0  }
0x81: {  	[sflag:s4] =	ssyncadd.s32 $0xFFFFFD00  }
0x82: {  	v1 =	vld [tilespmem:$0x3140]  }
0x83: {  	v2 =	vld [tilespmem:$0x3150]  }
0x84: {  	v3 =	vld [tilespmem:$0x3170]  }
0x85: {  	v4 =	vld [tilespmem:$0x3180];
	_ =	sdelay $0x2  }
0x86: {  	v5 =	vld [tilespmem:$0x31A0]  }
0x87: {  	v6 =	vld [tilespmem:$0x31B0]  }
0x88: {  	vm2 =	veq.f32 v3, v1;
	vm3 =	vlt.s32 v4, v2  }
0x89: {  	vm4 =	vgt.f32 v3, v1;
	vm2 =	vmand vm2, vm3  }
0x8a: {  	v7 =	vld [tilespmem:$0x31D0];
	vm2 =	vmor vm4, vm2  }
0x8b: {  	v1 =	vsel vm2, v3, v1;
	v2 =	vsel vm2, v4, v2;
	v3 =	vld [tilespmem:$0x31E0]  }
0x8c: {  	vm3 =	veq.f32 v5, v1;
	vm9 =	vlt.s32 v6, v2  }
0x8d: {  	vm5 =	vgt.f32 v5, v1;
	vm3 =	vmand vm3, vm9  }
0x8e: {  	v4 =	vld [tilespmem:$0x3200];
	vm3 =	vmor vm5, vm3  }
0x8f: {  	v1 =	vsel vm3, v5, v1;
	v2 =	vsel vm3, v6, v2;
	v5 =	vld [tilespmem:$0x3210]  }
0x90: {  	vm10 =	veq.f32 v7, v1;
	vm11 =	vlt.s32 v3, v2  }
0x91: {  	vm6 =	vgt.f32 v7, v1;
	vm4 =	vmand vm10, vm11  }
0x92: {  	v6 =	vld [tilespmem:$0x3230];
	vm4 =	vmor vm6, vm4  }
0x93: {  	v1 =	vsel vm4, v7, v1;
	v2 =	vsel vm4, v3, v2;
	v3 =	vld [tilespmem:$0x3240]  }
0x94: {  	vm12 =	veq.f32 v4, v1;
	vm13 =	vlt.s32 v5, v2  }
0x95: {  	vm7 =	vgt.f32 v4, v1;
	vm5 =	vmand vm12, vm13  }
0x96: {  	v7 =	vld [tilespmem:$0x3260];
	vm5 =	vmor vm7, vm5  }
0x97: {  	v1 =	vsel vm5, v4, v1;
	v2 =	vsel vm5, v5, v2;
	v4 =	vld [tilespmem:$0x3270]  }
0x98: {  	vm14 =	veq.f32 v6, v1;
	vm15 =	vlt.s32 v3, v2  }
0x99: {  	vm8 =	vgt.f32 v6, v1;
	vm6 =	vmand vm14, vm15  }
0x9a: {  	v5 =	vld [tilespmem:$0x3290];
	vm6 =	vmor vm8, vm6  }
0x9b: {  	v1 =	vsel vm6, v6, v1;
	v2 =	vsel vm6, v3, v2;
	v3 =	vld [tilespmem:$0x32A0]  }
0x9c: {  	vm12 =	veq.f32 v7, v1;
	vm13 =	vlt.s32 v4, v2  }
0x9d: {  	vm9 =	vgt.f32 v7, v1;
	vm7 =	vmand vm12, vm13  }
0x9e: {  	v6 =	vld [tilespmem:$0x32C0];
	vm7 =	vmor vm9, vm7  }
0x9f: {  	v1 =	vsel vm7, v7, v1;
	v2 =	vsel vm7, v4, v2;
	v4 =	vld [tilespmem:$0x32D0]  }
0xa0: {  	vm14 =	veq.f32 v5, v1;
	vm15 =	vlt.s32 v3, v2  }
0xa1: {  	v47 =	vld [tilespmem:$0x32F0];
	vm10 =	vgt.f32 v5, v1;
	vm8 =	vmand vm14, vm15  }
0xa2: {  	v48 =	vld [tilespmem:$0x31C0];
	vm8 =	vmor vm10, vm8  }
0xa3: {  	v1 =	vsel vm8, v5, v1;
	v2 =	vsel vm8, v3, v2;
	v3 =	vld [tilespmem:$0x3300]  }
0xa4: {  	v49 =	vld [tilespmem:$0x3320];
	vm12 =	veq.f32 v6, v1;
	vm13 =	vlt.s32 v4, v2  }
0xa5: {  	v50 =	vld [tilespmem:$0x3220];
	vm11 =	vgt.f32 v6, v1;
	vm9 =	vmand vm12, vm13  }
0xa6: {  	v51 =	vld [tilespmem:$0x3350];
	vm9 =	vmor vm11, vm9  }
0xa7: {  	v1 =	vsel vm9, v6, v1;
	v2 =	vsel vm9, v4, v2;
	v4 =	vld [tilespmem:$0x3330]  }
0xa8: {  	v52 =	vld [tilespmem:$0x3250];
	vm10 =	veq.f32 v47, v1;
	vm11 =	vlt.s32 v3, v2  }
0xa9: {  	v53 =	vld [tilespmem:$0x3280];
	vm12 =	vgt.f32 v47, v1;
	vm10 =	vmand vm10, vm11  }
0xaa: {  	v54 =	vld [tilespmem:$0x3380];
	vm10 =	vmor vm12, vm10  }
0xab: {  	v1 =	vsel vm10, v47, v1;
	v2 =	vsel vm10, v3, v2;
	v3 =	vld [tilespmem:$0x3360]  }
0xac: {  	v55 =	vld [tilespmem:$0x32B0];
	vm11 =	veq.f32 v49, v1;
	vm12 =	vlt.s32 v4, v2  }
0xad: {  	v56 =	vld [tilespmem:$0x32E0];
	vm13 =	vgt.f32 v49, v1;
	vm11 =	vmand vm11, vm12  }
0xae: {  	v7 =	vld [tilespmem:$0x3160];
	vm11 =	vmor vm13, vm11  }
0xaf: {  	v1 =	vsel vm11, v49, v1;
	v2 =	vsel vm11, v4, v2;
	v4 =	vld [tilespmem:$0x3390]  }
0xb0: {  	v5 =	vld [tilespmem:$0x3190];
	vm12 =	veq.f32 v51, v1;
	vm13 =	vlt.s32 v3, v2  }
0xb1: {  	v57 =	vld [tilespmem:$0x33B0];
	vm14 =	vgt.f32 v51, v1;
	vm12 =	vmand vm12, vm13  }
0xb2: {  	v6 =	vld [tilespmem:$0x31F0];
	vm12 =	vmor vm14, vm12  }
0xb3: {  	v1 =	vsel vm12, v51, v1;
	v2 =	vsel vm12, v3, v2;
	v3 =	vld [tilespmem:$0x33C0]  }
0xb4: {  	v58 =	vld [tilespmem:$0x3310];
	vm13 =	veq.f32 v54, v1;
	vm14 =	vlt.s32 v4, v2  }
0xb5: {  	v59 =	vld [tilespmem:$0x33E0];
	v5 =	vsel vm2, v5, v7;
	vm2 =	vmand vm13, vm14;
	vm13 =	vgt.f32 v54, v1  }
0xb6: {  	v60 =	vld [tilespmem:$0x33A0];
	v5 =	vsel vm3, v48, v5;
	vm2 =	vmor vm13, vm2  }
0xb7: {  	v5 =	vsel vm4, v6, v5;
	v1 =	vsel vm2, v54, v1;
	v2 =	vsel vm2, v4, v2;
	v4 =	vld [tilespmem:$0x33F0]  }
0xb8: {  	v61 =	vld [tilespmem:$0x3410];
	v5 =	vsel vm5, v50, v5;
	vm3 =	veq.f32 v57, v1;
	vm14 =	vlt.s32 v3, v2  }
0xb9: {  	v7 =	vld [tilespmem:$0x3340];
	v5 =	vsel vm6, v52, v5;
	vm15 =	vgt.f32 v57, v1;
	vm3 =	vmand vm3, vm14  }
0xba: {  	v6 =	vld [tilespmem:$0x3370];
	v5 =	vsel vm7, v53, v5;
	vm3 =	vmor vm15, vm3  }
0xbb: {  	v5 =	vsel vm8, v55, v5;
	v1 =	vsel vm3, v57, v1;
	v2 =	vsel vm3, v3, v2;
	v3 =	vld [tilespmem:$0x3420]  }
0xbc: {  	v62 =	vld [tilespmem:$0x33D0];
	v5 =	vsel vm9, v56, v5;
	vm9 =	veq.f32 v59, v1;
	vm13 =	vlt.s32 v4, v2  }
0xbd: {  	v63 =	vld [tilespmem:$0x3400];
	v5 =	vsel vm10, v58, v5;
	vm14 =	vgt.f32 v59, v1;
	vm4 =	vmand vm9, vm13  }
0xbe: {  	v5 =	vsel vm11, v7, v5;
	v7 =	vld [tilespmem:$0x3430];
	vm4 =	vmor vm14, vm4  }
0xbf: {  	v5 =	vsel vm12, v6, v5;
	v1 =	vsel vm4, v59, v1;
	v2 =	vsel vm4, v4, v2  }
0xc0: {  	v4 =	vsel vm2, v60, v5;
	vm2 =	veq.f32 v61, v1;
	vm15 =	vlt.s32 v3, v2  }
.Ltmp3:
0xc1: {  	v2 =	vsel vm3, v62, v4;
	vm3 =	vgt.f32 v61, v1;
	vm2 =	vmand vm2, vm15;
	(pc) =	sbr.rel @!p0 .LBB2_4-.Ltmp3, $4  }
0xc2: {  	v1 =	vsel vm4, v63, v2;
	vm2 =	vmor vm3, vm2  }
0xc3: {  	v4 =	vsel vm2, v7, v1  }
0xc4: {  	v1 =	vbroadcast v4, $0x0  }
0xc5: {  	s8 =	sadd.s32 $0x1, s8;
	v2 =	vbroadcast v4, $0x1;
	v3 =	vbroadcast v4, $0x2  }
0xc6: {  	p1 =	seq.s32 s8, $0x800  }
.Ltmp4:
0xc7: {  	_ = 	snop;
	(pc) =	sbr.rel @!p1 .LBB2_1-.Ltmp4, $4  }
.Ltmp5:
0xc8: {  	_ = 	snop;
	(pc) =	sbr.rel @p1 .LBB2_6-.Ltmp5, $4  }
0xc9: {  	_ = 	snop  }
0xca: {  	_ = 	snop  }
0xcb: {  	_ = 	snop  }
0xcc: {  	_ = 	snop  }
.LBB2_5:
0xcd: {  	s1 =	simm.s32 $0x0;
	s2 =	simm.s32 $0x3470;
	s31 =	simm.s32 $0x1  }
0xce: {  	[hbm4b:s5+s1] =	stream.linear.scatter [tilespmem:s2], [sflag:$0x1], $0x8000, $0x38;
	[tilespmem:$0xB4D0] =	vst v63  }
0xcf: {  	_ =	swait.ge [sflag:s31], $0x8000  }
0xd0: {  	[sflag:s31] =	ssyncset.done $0x0  }
0xd1: {  	[sflag:s31] =	ssyncadd.s32 $0xFFFF8000  }
.LBB2_6:
0xd2: {  	_ =	sfence.sel $0x180000  }
0xd3: {  	[bflag:$0x0] =	sbarrier.arrive $0xFFFF  }
0xd4: {  	_ =	strace $0x90000047  }
0xd5: {  	s0 =	sadd.s32 @!p0 $0x100000, s0;
	[bflag:$0x2] =	sbarrier.arrive $0xFFFF  }
0xd6: {  	[sflag:s0] =	ssyncadd.tile.s32 @!p0 $0x1;
	_ =	shalt  }
.Lfunc_end2:
_tile_overlayer_lowered:
.L_overlay_start_2:
0xd7: {  	(tag) =	ssettag $0x2  }
0xd8: {  	s0 =	rddreg [dreg:$0x0];
	s2 =	stileid.u32  }
0xd9: {  	s1 =	rddreg [dreg:$0x1];
	p0 =	sne.s32 s2, $0x0  }
0xda: {  	s3 =	rddreg [dreg:$0x2];
	[bflag:$0x3] =	sbarrier.arrive $0xFFFF;
	s2 =	simm.s32 @!p0 $0x1C01  }
0xdb: {  	[timem:s3], [sflag:s2] =	dma.local @!p0 [hbm:s0], s1  }
0xdc: {  	s0 =	simm.s32 @!p0 $0x1  }
0xdd: {  	_ =	swait.ge @!p0 [sflag:s0], s1  }
0xde: {  	s1 =	ssub.s32 @!p0 $0x0, s1;
	[sflag:s0] =	ssyncset.done @!p0 $0x0  }
0xdf: {  	[sflag:s0] =	ssyncadd.s32 @!p0 s1  }
0xe0: {  	[bflag:$0x3] =	sbarrier.arrive $0xFFFF  }
0xe1: {  	_ =	shalt  }

</sc_bundles>
